<compile_context>
chip_gen: v7x
topology: tpu7x:2x2x1
jax: 0.10.2.dev20260603
libtpu: 0.0.44.dev20260713+nightly
codegen_flags: <defaults>
</compile_context>

<pallas_src>
import functools

import jax
import jax.numpy as jnp
from jax import lax
from jax.experimental import pallas as pl
from jax.experimental.pallas import tpu as pltpu
from jax.experimental.pallas import tpu_sc as plsc

_NC = 2
_NS = 16
_NW = _NC * _NS
_CH = 128


def _make_sc_agg(N, d, CPT):
    assert CPT % 4 == 0
    IC = CPT // 2
    mesh = plsc.VectorSubcoreMesh(core_axis_name="c", subcore_axis_name="s")
    stride = (N // _NS) // 8 * 8
    width = N - stride * (_NS - 1)
    assert width % 8 == 0 and width >= stride
    NP = N + 8

    @functools.partial(
        pl.kernel,
        out_type=jax.ShapeDtypeStruct((_NC * N, d), jnp.float32),
        mesh=mesh,
        scratch_types=[
            pltpu.VMEM((IC, _CH), jnp.int32),
            pltpu.VMEM((IC, _CH), jnp.int32),
            pltpu.VMEM((_CH, d), jnp.float32),
            pltpu.VMEM((_CH, d), jnp.float32),
            pltpu.VMEM_SHARED((NP, d), jnp.float32),
            pltpu.SemaphoreType.DMA,
            pltpu.SemaphoreType.DMA,
            pltpu.SemaphoreType.DMA,
            pltpu.SemaphoreType.DMA,
        ],
    )
    def agg(h_hbm, src_hbm, dst_hbm, out_hbm, src_v, dst_v, rows_a, rows_b,
            agg_sh, gsa, gsb, ssa, ssb):
        cid = lax.axis_index("c")
        sid = lax.axis_index("s")
        wid = sid * _NC + cid
        pltpu.sync_copy(h_hbm.at[pl.ds(sid * stride, width)],
                        agg_sh.at[pl.ds(sid * stride, width)])
        plsc.subcore_barrier()

        def gat(j, buf, sem):
            return pltpu.make_async_copy(h_hbm.at[src_v.at[j]], buf, sem)

        def sca(j, buf, sem):
            return pltpu.make_async_copy(buf, agg_sh.at[dst_v.at[j]], sem)

        for w in range(2):
            pltpu.sync_copy(src_hbm.at[wid, w], src_v)
            pltpu.sync_copy(dst_hbm.at[wid, w], dst_v)
            gat(0, rows_a, gsa).start()

            def body(i, carry):
                j0 = 2 * i
                j1 = j0 + 1
                gat(j0, rows_a, gsa).wait()

                @pl.when(i > 0)
                def _():
                    sca(j1 - 2, rows_b, ssb).wait()

                gat(j1, rows_b, gsb).start()
                sca(j0, rows_a, ssa).start(add=True)
                gat(j1, rows_b, gsb).wait()
                sca(j0, rows_a, ssa).wait()

                @pl.when(j0 + 2 < IC)
                def _():
                    gat(j0 + 2, rows_a, gsa).start()

                sca(j1, rows_b, ssb).start(add=True)
                return carry

            lax.fori_loop(0, IC // 2, body, 0)
            sca(IC - 1, rows_b, ssb).wait()
        plsc.subcore_barrier()
        pltpu.sync_copy(agg_sh.at[pl.ds(sid * stride, width)],
                        out_hbm.at[pl.ds(cid * N + sid * stride, width)])

    return agg


def _conv_body(p0_ref, p1_ref, h_ref, w_ref, b_ref, o_ref):
    agg = p0_ref[...] + p1_ref[...] - h_ref[...]
    y = jnp.dot(agg, w_ref[...], preferred_element_type=jnp.float32)
    o_ref[...] = jnp.maximum(y + b_ref[...], 0.0)


def _conv(p0, p1, h, W, b2d):
    N, d = h.shape
    BN = 2000
    grid = (N // BN,)
    return pl.pallas_call(
        _conv_body,
        grid=grid,
        in_specs=[
            pl.BlockSpec((BN, d), lambda i: (i, 0)),
            pl.BlockSpec((BN, d), lambda i: (i, 0)),
            pl.BlockSpec((BN, d), lambda i: (i, 0)),
            pl.BlockSpec((d, d), lambda i: (0, 0)),
            pl.BlockSpec((1, d), lambda i: (0, 0)),
        ],
        out_specs=pl.BlockSpec((BN, d), lambda i: (i, 0)),
        out_shape=jax.ShapeDtypeStruct((N, d), jnp.float32),
    )(p0, p1, h, W, b2d)


def _final_body(h_ref, wf_ref, bf_ref, gs_ref, o_ref):
    s = jnp.dot(h_ref[...], wf_ref[...], preferred_element_type=jnp.float32)
    s = jax.nn.sigmoid(s + bf_ref[...])
    G = o_ref.shape[0]
    ps = s.reshape(G, s.shape[0] // G, s.shape[1]).sum(axis=1)
    o_ref[...] = ps / gs_ref[...]


def _final(h, Wfp, bfp, gs, G):
    N, d = h.shape
    dp = Wfp.shape[1]
    return pl.pallas_call(
        _final_body,
        out_shape=jax.ShapeDtypeStruct((G, dp), jnp.float32),
    )(h, Wfp, bfp, gs)


def kernel(X, edge_index, graph_sizes, W1, b1, W2, b2, Wf, bf):
    N, d = X.shape
    E = edge_index.shape[1]
    G = graph_sizes.shape[0]
    T = Wf.shape[1]

    CPT = -(-E // (_NW * _CH * 4)) * 4
    E_pad = _NW * CPT * _CH
    pad = E_pad - E
    src = jnp.concatenate(
        [edge_index[0], jnp.zeros((pad,), jnp.int32)]
    ).reshape(_NW, 2, CPT // 2, _CH)
    dst = jnp.concatenate(
        [edge_index[1], jnp.full((pad,), N, jnp.int32)]
    ).reshape(_NW, 2, CPT // 2, _CH)

    agg_fn = _make_sc_agg(N, d, CPT)
    b1r = b1.reshape(1, d)
    b2r = b2.reshape(1, d)
    dp = 128
    Wfp = jnp.zeros((d, dp), jnp.float32).at[:, :T].set(Wf)
    bfp = jnp.zeros((1, dp), jnp.float32).at[0, :T].set(bf)
    gs = graph_sizes.astype(jnp.float32).reshape(G, 1)

    h = X
    for W, br in ((W1, b1r), (W2, b2r)):
        p2 = agg_fn(h, src, dst)
        h = _conv(p2[:N], p2[N:], h, W, br)
    pooled = _final(h, Wfp, bfp, gs, G)
    return pooled[:, :T]

# --- scband reference (transcript-rebuilt; emitter-appended) ---
"""Pipeline reference for scband-gnn-44727789420934 (READ-ONLY COPY).

The authoritative reference and input builder live on the scoring server;
editing this copy changes nothing except your own understanding.
"""

import jax, jax.numpy as jnp
import numpy as np


def setup_inputs(seed: int = 0) -> dict:
    key = jax.random.key(seed)
    ks = jax.random.split(key, 8)
    N, E, d, G, num_tasks = 10000, 320000, 128, 100, 10
    X = jax.random.normal(ks[0], (N, d), dtype=jnp.float32)
    edge_index = jax.random.randint(ks[1], (2, E), 0, N, dtype=jnp.int32)
    graph_sizes = jnp.full((G,), N // G, dtype=jnp.int32)
    # learned parameters (kaiming-style scale for relu)
    s = (2.0 / d) ** 0.5
    W1 = jax.random.normal(ks[2], (d, d), dtype=jnp.float32) * s
    b1 = jnp.zeros((d,), dtype=jnp.float32)
    W2 = jax.random.normal(ks[3], (d, d), dtype=jnp.float32) * s
    b2 = jnp.zeros((d,), dtype=jnp.float32)
    Wf = jax.random.normal(ks[4], (d, num_tasks), dtype=jnp.float32) * s
    bf = jnp.zeros((num_tasks,), dtype=jnp.float32)
    return {"X": X, "edge_index": edge_index, "graph_sizes": graph_sizes,
            "W1": W1, "b1": b1, "W2": W2, "b2": b2, "Wf": Wf, "bf": bf}


def reference(X, edge_index, graph_sizes, W1, b1, W2, b2, Wf, bf):
    # GNN.forward: stacked graph convs (GCN-style sum aggregation with self
    # connection), relu nonlinearity, dropout(p=0.0)=identity, final linear,
    # sigmoid, then per-graph mean pooling via split(graph_sizes).
    src = edge_index[0]
    dst = edge_index[1]
    h = X
    for W, b in ((W1, b1), (W2, b2)):
        msgs = h[src]  # gather over edges
        agg = jnp.zeros((h.shape[0], h.shape[1]), dtype=h.dtype).at[dst].add(msgs)
        agg = agg + h  # self connection
        h = jax.nn.relu(agg @ W + b)
        # dropout p=0.0 -> identity
    out = jax.nn.sigmoid(h @ Wf + bf)
    G = graph_sizes.shape[0]
    graph_ids = jnp.repeat(jnp.arange(G, dtype=jnp.int32), graph_sizes,
                           total_repeat_length=out.shape[0])
    pooled_sum = jax.ops.segment_sum(out, graph_ids, num_segments=G)
    pooled = pooled_sum / graph_sizes[:, None].astype(out.dtype)
    return pooled

if __name__ == "__main__":
    import jax
    _d = setup_inputs()
    print(jax.jit(kernel)(*tuple(_d.values())))

</pallas_src>

<mosaic_0001>
#map = affine_map<(d0, d1) -> (0, 0)>
#map1 = affine_map<(d0, d1) -> (0, 0, 0, 0)>
module attributes {stable_mosaic.version = 14 : i64} {
  func.func @agg(%arg0: i32, %arg1: i32, %arg2: memref<10000x128xf32, #tpu.memory_space<hbm>>, %arg3: memref<32x2x40x128xi32, #tpu.memory_space<hbm>>, %arg4: memref<32x2x40x128xi32, #tpu.memory_space<hbm>>, %arg5: memref<20000x128xf32, #tpu.memory_space<hbm>>, %arg6: memref<40x128xi32, #tpu.memory_space<vmem>>, %arg7: memref<40x128xi32, #tpu.memory_space<vmem>>, %arg8: memref<128x128xf32, #tpu.memory_space<vmem>>, %arg9: memref<128x128xf32, #tpu.memory_space<vmem>>, %arg10: memref<10008x128xf32, #tpu.memory_space<vmem_shared>>, %arg11: memref<!tpu.dma_semaphore, #tpu.memory_space<semaphore_mem>>, %arg12: memref<!tpu.dma_semaphore, #tpu.memory_space<semaphore_mem>>, %arg13: memref<!tpu.dma_semaphore, #tpu.memory_space<semaphore_mem>>, %arg14: memref<!tpu.dma_semaphore, #tpu.memory_space<semaphore_mem>>) attributes {dimension_semantics = [#tpu.dimension_semantics<core_parallel>, #tpu.dimension_semantics<subcore_parallel>], iteration_bounds = array<i64: 2, 16>, scalar_prefetch = 0 : i64, scratch_operands = 9 : i64, tpu.core_type = #tpu.core_type<sc_vector_subcore>, window_params = [{transform_indices = #map}, {transform_indices = #map1}, {transform_indices = #map1}, {transform_indices = #map}]} {
    %mul3A = arith.constant 2 : i32
    %mul3A_0 = arith.muli %arg1, %mul3A : i32
    %add3A = arith.addi %mul3A_0, %arg0 : i32
    %mul3A_1 = arith.constant 624 : i32
    %mul3A_2 = arith.muli %arg1, %mul3A_1 : i32
    %mul3A_3 = arith.constant 624 : i32
    %mul3A_4 = arith.muli %arg1, %mul3A_3 : i32
    "tpu.region"() ({
      %run_scoped3A_53 = tpu.sem_alloc : memref<!tpu.dma_semaphore, #tpu.memory_space<semaphore_mem>>
      %dma_start3A_54 = arith.constant 0 : i32
      %dma_start3A_55 = tpu.memref_slice %arg10[%mul3A_4, %dma_start3A_54] : memref<10008x128xf32, #tpu.memory_space<vmem_shared>> -> memref<640x128xf32, #tpu.memory_space<vmem_shared>>
      %dma_start3A_56 = arith.constant 0 : i32
      %dma_start3A_57 = tpu.memref_slice %arg2[%mul3A_2, %dma_start3A_56] : memref<10000x128xf32, #tpu.memory_space<hbm>> -> memref<640x128xf32, #tpu.memory_space<hbm>>
      tpu.enqueue_dma source(%dma_start3A_57 : memref<640x128xf32, #tpu.memory_space<hbm>>) target(%dma_start3A_55 : memref<640x128xf32, #tpu.memory_space<vmem_shared>>) target_semaphore(%run_scoped3A_53 : memref<!tpu.dma_semaphore, #tpu.memory_space<semaphore_mem>>)
      %dma_wait3A_58 = arith.constant 0 : i32
      %dma_wait3A_59 = tpu.memref_slice %arg10[%mul3A_4, %dma_wait3A_58] : memref<10008x128xf32, #tpu.memory_space<vmem_shared>> -> memref<640x128xf32, #tpu.memory_space<vmem_shared>>
      %dma_wait3A_60 = arith.constant 0 : i32
      %dma_wait3A_61 = tpu.memref_slice %arg2[%mul3A_2, %dma_wait3A_60] : memref<10000x128xf32, #tpu.memory_space<hbm>> -> memref<640x128xf32, #tpu.memory_space<hbm>>
      tpu.wait_dma2 semaphore(%run_scoped3A_53 : memref<!tpu.dma_semaphore, #tpu.memory_space<semaphore_mem>>) src(%dma_wait3A_61 : memref<640x128xf32, #tpu.memory_space<hbm>>) dst(%dma_wait3A_59 : memref<640x128xf32, #tpu.memory_space<vmem_shared>>)
      tpu.yield
    }) : () -> ()
    %barrier3A = arith.constant 0 : index
    tpu.barrier barrier_id(%barrier3A)
    %run_scoped3A = arith.constant 0 : i32
    "tpu.region"() ({
      %run_scoped3A_53 = tpu.sem_alloc : memref<!tpu.dma_semaphore, #tpu.memory_space<semaphore_mem>>
      %dma_start3A_54 = arith.constant 0 : i32
      %dma_start3A_55 = arith.constant 0 : i32
      %dma_start3A_56 = tpu.memref_slice %arg3[%add3A, %run_scoped3A, %dma_start3A_54, %dma_start3A_55] : memref<32x2x40x128xi32, #tpu.memory_space<hbm>> -> memref<1x1x40x128xi32, #tpu.memory_space<hbm>>
      %dma_start3A_57 = tpu.memref_squeeze %dma_start3A_56 : memref<1x1x40x128xi32, #tpu.memory_space<hbm>> -> memref<40x128xi32, #tpu.memory_space<hbm>>
      %dma_start3A_58 = arith.constant 0 : i32
      %dma_start3A_59 = arith.constant 0 : i32
      %dma_start3A_60 = tpu.memref_slice %arg3[%add3A, %run_scoped3A, %dma_start3A_58, %dma_start3A_59] : memref<32x2x40x128xi32, #tpu.memory_space<hbm>> -> memref<1x1x40x128xi32, #tpu.memory_space<hbm>>
      %dma_start3A_61 = tpu.memref_squeeze %dma_start3A_60 : memref<1x1x40x128xi32, #tpu.memory_space<hbm>> -> memref<40x128xi32, #tpu.memory_space<hbm>>
      tpu.enqueue_dma source(%dma_start3A_61 : memref<40x128xi32, #tpu.memory_space<hbm>>) target(%arg6 : memref<40x128xi32, #tpu.memory_space<vmem>>) target_semaphore(%run_scoped3A_53 : memref<!tpu.dma_semaphore, #tpu.memory_space<semaphore_mem>>)
      %dma_wait3A_62 = arith.constant 0 : i32
      %dma_wait3A_63 = arith.constant 0 : i32
      %dma_wait3A_64 = tpu.memref_slice %arg3[%add3A, %run_scoped3A, %dma_wait3A_62, %dma_wait3A_63] : memref<32x2x40x128xi32, #tpu.memory_space<hbm>> -> memref<1x1x40x128xi32, #tpu.memory_space<hbm>>
      %dma_wait3A_65 = tpu.memref_squeeze %dma_wait3A_64 : memref<1x1x40x128xi32, #tpu.memory_space<hbm>> -> memref<40x128xi32, #tpu.memory_space<hbm>>
      %dma_wait3A_66 = arith.constant 0 : i32
      %dma_wait3A_67 = arith.constant 0 : i32
      %dma_wait3A_68 = tpu.memref_slice %arg3[%add3A, %run_scoped3A, %dma_wait3A_66, %dma_wait3A_67] : memref<32x2x40x128xi32, #tpu.memory_space<hbm>> -> memref<1x1x40x128xi32, #tpu.memory_space<hbm>>
      %dma_wait3A_69 = tpu.memref_squeeze %dma_wait3A_68 : memref<1x1x40x128xi32, #tpu.memory_space<hbm>> -> memref<40x128xi32, #tpu.memory_space<hbm>>
      tpu.wait_dma2 semaphore(%run_scoped3A_53 : memref<!tpu.dma_semaphore, #tpu.memory_space<semaphore_mem>>) src(%dma_wait3A_69 : memref<40x128xi32, #tpu.memory_space<hbm>>) dst(%arg6 : memref<40x128xi32, #tpu.memory_space<vmem>>)
      tpu.yield
    }) : () -> ()
    %run_scoped3A_5 = arith.constant 0 : i32
    "tpu.region"() ({
      %run_scoped3A_53 = tpu.sem_alloc : memref<!tpu.dma_semaphore, #tpu.memory_space<semaphore_mem>>
      %dma_start3A_54 = arith.constant 0 : i32
      %dma_start3A_55 = arith.constant 0 : i32
      %dma_start3A_56 = tpu.memref_slice %arg4[%add3A, %run_scoped3A_5, %dma_start3A_54, %dma_start3A_55] : memref<32x2x40x128xi32, #tpu.memory_space<hbm>> -> memref<1x1x40x128xi32, #tpu.memory_space<hbm>>
      %dma_start3A_57 = tpu.memref_squeeze %dma_start3A_56 : memref<1x1x40x128xi32, #tpu.memory_space<hbm>> -> memref<40x128xi32, #tpu.memory_space<hbm>>
      %dma_start3A_58 = arith.constant 0 : i32
      %dma_start3A_59 = arith.constant 0 : i32
      %dma_start3A_60 = tpu.memref_slice %arg4[%add3A, %run_scoped3A_5, %dma_start3A_58, %dma_start3A_59] : memref<32x2x40x128xi32, #tpu.memory_space<hbm>> -> memref<1x1x40x128xi32, #tpu.memory_space<hbm>>
      %dma_start3A_61 = tpu.memref_squeeze %dma_start3A_60 : memref<1x1x40x128xi32, #tpu.memory_space<hbm>> -> memref<40x128xi32, #tpu.memory_space<hbm>>
      tpu.enqueue_dma source(%dma_start3A_61 : memref<40x128xi32, #tpu.memory_space<hbm>>) target(%arg7 : memref<40x128xi32, #tpu.memory_space<vmem>>) target_semaphore(%run_scoped3A_53 : memref<!tpu.dma_semaphore, #tpu.memory_space<semaphore_mem>>)
      %dma_wait3A_62 = arith.constant 0 : i32
      %dma_wait3A_63 = arith.constant 0 : i32
      %dma_wait3A_64 = tpu.memref_slice %arg4[%add3A, %run_scoped3A_5, %dma_wait3A_62, %dma_wait3A_63] : memref<32x2x40x128xi32, #tpu.memory_space<hbm>> -> memref<1x1x40x128xi32, #tpu.memory_space<hbm>>
      %dma_wait3A_65 = tpu.memref_squeeze %dma_wait3A_64 : memref<1x1x40x128xi32, #tpu.memory_space<hbm>> -> memref<40x128xi32, #tpu.memory_space<hbm>>
      %dma_wait3A_66 = arith.constant 0 : i32
      %dma_wait3A_67 = arith.constant 0 : i32
      %dma_wait3A_68 = tpu.memref_slice %arg4[%add3A, %run_scoped3A_5, %dma_wait3A_66, %dma_wait3A_67] : memref<32x2x40x128xi32, #tpu.memory_space<hbm>> -> memref<1x1x40x128xi32, #tpu.memory_space<hbm>>
      %dma_wait3A_69 = tpu.memref_squeeze %dma_wait3A_68 : memref<1x1x40x128xi32, #tpu.memory_space<hbm>> -> memref<40x128xi32, #tpu.memory_space<hbm>>
      tpu.wait_dma2 semaphore(%run_scoped3A_53 : memref<!tpu.dma_semaphore, #tpu.memory_space<semaphore_mem>>) src(%dma_wait3A_69 : memref<40x128xi32, #tpu.memory_space<hbm>>) dst(%arg7 : memref<40x128xi32, #tpu.memory_space<vmem>>)
      tpu.yield
    }) : () -> ()
    %dma_start3A = arith.constant 0 : i32
    %dma_start3A_6 = arith.constant 0 : i32
    %dma_start3A_7 = tpu.memref_slice %arg6[%dma_start3A, %dma_start3A_6] : memref<40x128xi32, #tpu.memory_space<vmem>> -> memref<1x128xi32, #tpu.memory_space<vmem>>
    %dma_start3A_8 = tpu.memref_squeeze %dma_start3A_7 : memref<1x128xi32, #tpu.memory_space<vmem>> -> memref<128xi32, #tpu.memory_space<vmem>>
    %dma_start3A_9 = arith.constant 0 : i32
    %dma_start3A_10 = arith.constant 0 : i32
    %dma_start3A_11 = tpu.memref_slice %arg2[%dma_start3A_9, %dma_start3A_10] : memref<10000x128xf32, #tpu.memory_space<hbm>> -> memref<10000x128xf32, #tpu.memory_space<hbm>>
    tpu.enqueue_indirect_dma source(%dma_start3A_11 : memref<10000x128xf32, #tpu.memory_space<hbm>>) target(%arg8 : memref<128x128xf32, #tpu.memory_space<vmem>>) offsets(%dma_start3A_8 : memref<128xi32, #tpu.memory_space<vmem>>) semaphore(%arg11 : memref<!tpu.dma_semaphore, #tpu.memory_space<semaphore_mem>>)
    %scan3A = arith.constant 0 : i32
    %scan3A_12 = arith.constant 0 : i32
    %scan3A_13 = arith.constant 20 : i32
    %scan3A_14 = arith.addi %scan3A_12, %scan3A_13 : i32
    %scan3A_15 = arith.constant 1 : i32
    scf.for %scan3A_53 = %scan3A_12 to %scan3A_14 step %scan3A_15  : i32 {
      %mul3A_54 = arith.constant 2 : i32
      %mul3A_55 = arith.muli %mul3A_54, %scan3A_53 : i32
      %add3A_56 = arith.constant 1 : i32
      %add3A_57 = arith.addi %mul3A_55, %add3A_56 : i32
      %dma_wait3A_58 = arith.constant 0 : i32
      %dma_wait3A_59 = tpu.memref_slice %arg6[%mul3A_55, %dma_wait3A_58] : memref<40x128xi32, #tpu.memory_space<vmem>> -> memref<1x128xi32, #tpu.memory_space<vmem>>
      %dma_wait3A_60 = tpu.memref_squeeze %dma_wait3A_59 : memref<1x128xi32, #tpu.memory_space<vmem>> -> memref<128xi32, #tpu.memory_space<vmem>>
      %dma_wait3A_61 = arith.constant 0 : i32
      %dma_wait3A_62 = arith.constant 0 : i32
      %dma_wait3A_63 = tpu.memref_slice %arg2[%dma_wait3A_61, %dma_wait3A_62] : memref<10000x128xf32, #tpu.memory_space<hbm>> -> memref<10000x128xf32, #tpu.memory_space<hbm>>
      tpu.wait_indirect_dma semaphore(%arg11 : memref<!tpu.dma_semaphore, #tpu.memory_space<semaphore_mem>>) src(%dma_wait3A_63 : memref<10000x128xf32, #tpu.memory_space<hbm>>) dst(%arg8 : memref<128x128xf32, #tpu.memory_space<vmem>>)
      %gt3A = arith.constant 0 : i32
      %gt3A_64 = arith.cmpi sgt, %scan3A_53, %gt3A : i32
      %convert_element_type3A = arith.extui %gt3A_64 : i1 to i32
      %cond3A = arith.constant 0 : i32
      %cond3A_65 = arith.cmpi ne, %convert_element_type3A, %cond3A : i32
      scf.if %cond3A_65 {
        %sub3A = arith.constant 2 : i32
        %sub3A_102 = arith.subi %add3A_57, %sub3A : i32
        %dma_wait3A_103 = arith.constant 0 : i32
        %dma_wait3A_104 = tpu.memref_slice %arg7[%sub3A_102, %dma_wait3A_103] : memref<40x128xi32, #tpu.memory_space<vmem>> -> memref<1x128xi32, #tpu.memory_space<vmem>>
        %dma_wait3A_105 = tpu.memref_squeeze %dma_wait3A_104 : memref<1x128xi32, #tpu.memory_space<vmem>> -> memref<128xi32, #tpu.memory_space<vmem>>
        %dma_wait3A_106 = arith.constant 0 : i32
        %dma_wait3A_107 = arith.constant 0 : i32
        %dma_wait3A_108 = tpu.memref_slice %arg10[%dma_wait3A_106, %dma_wait3A_107] : memref<10008x128xf32, #tpu.memory_space<vmem_shared>> -> memref<10008x128xf32, #tpu.memory_space<vmem_shared>>
        tpu.wait_indirect_dma semaphore(%arg14 : memref<!tpu.dma_semaphore, #tpu.memory_space<semaphore_mem>>) src(%arg9 : memref<128x128xf32, #tpu.memory_space<vmem>>) dst(%dma_wait3A_108 : memref<10008x128xf32, #tpu.memory_space<vmem_shared>>)
      } else {
      }
      %dma_start3A_66 = arith.constant 0 : i32
      %dma_start3A_67 = tpu.memref_slice %arg6[%add3A_57, %dma_start3A_66] : memref<40x128xi32, #tpu.memory_space<vmem>> -> memref<1x128xi32, #tpu.memory_space<vmem>>
      %dma_start3A_68 = tpu.memref_squeeze %dma_start3A_67 : memref<1x128xi32, #tpu.memory_space<vmem>> -> memref<128xi32, #tpu.memory_space<vmem>>
      %dma_start3A_69 = arith.constant 0 : i32
      %dma_start3A_70 = arith.constant 0 : i32
      %dma_start3A_71 = tpu.memref_slice %arg2[%dma_start3A_69, %dma_start3A_70] : memref<10000x128xf32, #tpu.memory_space<hbm>> -> memref<10000x128xf32, #tpu.memory_space<hbm>>
      tpu.enqueue_indirect_dma source(%dma_start3A_71 : memref<10000x128xf32, #tpu.memory_space<hbm>>) target(%arg9 : memref<128x128xf32, #tpu.memory_space<vmem>>) offsets(%dma_start3A_68 : memref<128xi32, #tpu.memory_space<vmem>>) semaphore(%arg12 : memref<!tpu.dma_semaphore, #tpu.memory_space<semaphore_mem>>)
      %dma_start3A_72 = arith.constant 0 : i32
      %dma_start3A_73 = tpu.memref_slice %arg7[%mul3A_55, %dma_start3A_72] : memref<40x128xi32, #tpu.memory_space<vmem>> -> memref<1x128xi32, #tpu.memory_space<vmem>>
      %dma_start3A_74 = tpu.memref_squeeze %dma_start3A_73 : memref<1x128xi32, #tpu.memory_space<vmem>> -> memref<128xi32, #tpu.memory_space<vmem>>
      %dma_start3A_75 = arith.constant 0 : i32
      %dma_start3A_76 = arith.constant 0 : i32
      %dma_start3A_77 = tpu.memref_slice %arg10[%dma_start3A_75, %dma_start3A_76] : memref<10008x128xf32, #tpu.memory_space<vmem_shared>> -> memref<10008x128xf32, #tpu.memory_space<vmem_shared>>
      tpu.enqueue_indirect_dma source(%arg8 : memref<128x128xf32, #tpu.memory_space<vmem>>) target(%dma_start3A_77 : memref<10008x128xf32, #tpu.memory_space<vmem_shared>>) offsets(%dma_start3A_74 : memref<128xi32, #tpu.memory_space<vmem>>) semaphore(%arg13 : memref<!tpu.dma_semaphore, #tpu.memory_space<semaphore_mem>>) {add = true}
      %dma_wait3A_78 = arith.constant 0 : i32
      %dma_wait3A_79 = tpu.memref_slice %arg6[%add3A_57, %dma_wait3A_78] : memref<40x128xi32, #tpu.memory_space<vmem>> -> memref<1x128xi32, #tpu.memory_space<vmem>>
      %dma_wait3A_80 = tpu.memref_squeeze %dma_wait3A_79 : memref<1x128xi32, #tpu.memory_space<vmem>> -> memref<128xi32, #tpu.memory_space<vmem>>
      %dma_wait3A_81 = arith.constant 0 : i32
      %dma_wait3A_82 = arith.constant 0 : i32
      %dma_wait3A_83 = tpu.memref_slice %arg2[%dma_wait3A_81, %dma_wait3A_82] : memref<10000x128xf32, #tpu.memory_space<hbm>> -> memref<10000x128xf32, #tpu.memory_space<hbm>>
      tpu.wait_indirect_dma semaphore(%arg12 : memref<!tpu.dma_semaphore, #tpu.memory_space<semaphore_mem>>) src(%dma_wait3A_83 : memref<10000x128xf32, #tpu.memory_space<hbm>>) dst(%arg9 : memref<128x128xf32, #tpu.memory_space<vmem>>)
      %dma_wait3A_84 = arith.constant 0 : i32
      %dma_wait3A_85 = tpu.memref_slice %arg7[%mul3A_55, %dma_wait3A_84] : memref<40x128xi32, #tpu.memory_space<vmem>> -> memref<1x128xi32, #tpu.memory_space<vmem>>
      %dma_wait3A_86 = tpu.memref_squeeze %dma_wait3A_85 : memref<1x128xi32, #tpu.memory_space<vmem>> -> memref<128xi32, #tpu.memory_space<vmem>>
      %dma_wait3A_87 = arith.constant 0 : i32
      %dma_wait3A_88 = arith.constant 0 : i32
      %dma_wait3A_89 = tpu.memref_slice %arg10[%dma_wait3A_87, %dma_wait3A_88] : memref<10008x128xf32, #tpu.memory_space<vmem_shared>> -> memref<10008x128xf32, #tpu.memory_space<vmem_shared>>
      tpu.wait_indirect_dma semaphore(%arg13 : memref<!tpu.dma_semaphore, #tpu.memory_space<semaphore_mem>>) src(%arg8 : memref<128x128xf32, #tpu.memory_space<vmem>>) dst(%dma_wait3A_89 : memref<10008x128xf32, #tpu.memory_space<vmem_shared>>)
      %add3A_90 = arith.constant 2 : i32
      %add3A_91 = arith.addi %mul3A_55, %add3A_90 : i32
      %lt3A = arith.constant 40 : i32
      %lt3A_92 = arith.cmpi slt, %add3A_91, %lt3A : i32
      %convert_element_type3A_93 = arith.extui %lt3A_92 : i1 to i32
      %cond3A_94 = arith.constant 0 : i32
      %cond3A_95 = arith.cmpi ne, %convert_element_type3A_93, %cond3A_94 : i32
      scf.if %cond3A_95 {
        %add3A_102 = arith.constant 2 : i32
        %add3A_103 = arith.addi %mul3A_55, %add3A_102 : i32
        %dma_start3A_104 = arith.constant 0 : i32
        %dma_start3A_105 = tpu.memref_slice %arg6[%add3A_103, %dma_start3A_104] : memref<40x128xi32, #tpu.memory_space<vmem>> -> memref<1x128xi32, #tpu.memory_space<vmem>>
        %dma_start3A_106 = tpu.memref_squeeze %dma_start3A_105 : memref<1x128xi32, #tpu.memory_space<vmem>> -> memref<128xi32, #tpu.memory_space<vmem>>
        %dma_start3A_107 = arith.constant 0 : i32
        %dma_start3A_108 = arith.constant 0 : i32
        %dma_start3A_109 = tpu.memref_slice %arg2[%dma_start3A_107, %dma_start3A_108] : memref<10000x128xf32, #tpu.memory_space<hbm>> -> memref<10000x128xf32, #tpu.memory_space<hbm>>
        tpu.enqueue_indirect_dma source(%dma_start3A_109 : memref<10000x128xf32, #tpu.memory_space<hbm>>) target(%arg8 : memref<128x128xf32, #tpu.memory_space<vmem>>) offsets(%dma_start3A_106 : memref<128xi32, #tpu.memory_space<vmem>>) semaphore(%arg11 : memref<!tpu.dma_semaphore, #tpu.memory_space<semaphore_mem>>)
      } else {
      }
      %dma_start3A_96 = arith.constant 0 : i32
      %dma_start3A_97 = tpu.memref_slice %arg7[%add3A_57, %dma_start3A_96] : memref<40x128xi32, #tpu.memory_space<vmem>> -> memref<1x128xi32, #tpu.memory_space<vmem>>
      %dma_start3A_98 = tpu.memref_squeeze %dma_start3A_97 : memref<1x128xi32, #tpu.memory_space<vmem>> -> memref<128xi32, #tpu.memory_space<vmem>>
      %dma_start3A_99 = arith.constant 0 : i32
      %dma_start3A_100 = arith.constant 0 : i32
      %dma_start3A_101 = tpu.memref_slice %arg10[%dma_start3A_99, %dma_start3A_100] : memref<10008x128xf32, #tpu.memory_space<vmem_shared>> -> memref<10008x128xf32, #tpu.memory_space<vmem_shared>>
      tpu.enqueue_indirect_dma source(%arg9 : memref<128x128xf32, #tpu.memory_space<vmem>>) target(%dma_start3A_101 : memref<10008x128xf32, #tpu.memory_space<vmem_shared>>) offsets(%dma_start3A_98 : memref<128xi32, #tpu.memory_space<vmem>>) semaphore(%arg14 : memref<!tpu.dma_semaphore, #tpu.memory_space<semaphore_mem>>) {add = true}
    }
    %scan3A_16 = arith.constant 20 : i32
    %dma_wait3A = arith.constant 39 : i32
    %dma_wait3A_17 = arith.constant 0 : i32
    %dma_wait3A_18 = tpu.memref_slice %arg7[%dma_wait3A, %dma_wait3A_17] : memref<40x128xi32, #tpu.memory_space<vmem>> -> memref<1x128xi32, #tpu.memory_space<vmem>>
    %dma_wait3A_19 = tpu.memref_squeeze %dma_wait3A_18 : memref<1x128xi32, #tpu.memory_space<vmem>> -> memref<128xi32, #tpu.memory_space<vmem>>
    %dma_wait3A_20 = arith.constant 0 : i32
    %dma_wait3A_21 = arith.constant 0 : i32
    %dma_wait3A_22 = tpu.memref_slice %arg10[%dma_wait3A_20, %dma_wait3A_21] : memref<10008x128xf32, #tpu.memory_space<vmem_shared>> -> memref<10008x128xf32, #tpu.memory_space<vmem_shared>>
    tpu.wait_indirect_dma semaphore(%arg14 : memref<!tpu.dma_semaphore, #tpu.memory_space<semaphore_mem>>) src(%arg9 : memref<128x128xf32, #tpu.memory_space<vmem>>) dst(%dma_wait3A_22 : memref<10008x128xf32, #tpu.memory_space<vmem_shared>>)
    %run_scoped3A_23 = arith.constant 1 : i32
    "tpu.region"() ({
      %run_scoped3A_53 = tpu.sem_alloc : memref<!tpu.dma_semaphore, #tpu.memory_space<semaphore_mem>>
      %dma_start3A_54 = arith.constant 0 : i32
      %dma_start3A_55 = arith.constant 0 : i32
      %dma_start3A_56 = tpu.memref_slice %arg3[%add3A, %run_scoped3A_23, %dma_start3A_54, %dma_start3A_55] : memref<32x2x40x128xi32, #tpu.memory_space<hbm>> -> memref<1x1x40x128xi32, #tpu.memory_space<hbm>>
      %dma_start3A_57 = tpu.memref_squeeze %dma_start3A_56 : memref<1x1x40x128xi32, #tpu.memory_space<hbm>> -> memref<40x128xi32, #tpu.memory_space<hbm>>
      %dma_start3A_58 = arith.constant 0 : i32
      %dma_start3A_59 = arith.constant 0 : i32
      %dma_start3A_60 = tpu.memref_slice %arg3[%add3A, %run_scoped3A_23, %dma_start3A_58, %dma_start3A_59] : memref<32x2x40x128xi32, #tpu.memory_space<hbm>> -> memref<1x1x40x128xi32, #tpu.memory_space<hbm>>
      %dma_start3A_61 = tpu.memref_squeeze %dma_start3A_60 : memref<1x1x40x128xi32, #tpu.memory_space<hbm>> -> memref<40x128xi32, #tpu.memory_space<hbm>>
      tpu.enqueue_dma source(%dma_start3A_61 : memref<40x128xi32, #tpu.memory_space<hbm>>) target(%arg6 : memref<40x128xi32, #tpu.memory_space<vmem>>) target_semaphore(%run_scoped3A_53 : memref<!tpu.dma_semaphore, #tpu.memory_space<semaphore_mem>>)
      %dma_wait3A_62 = arith.constant 0 : i32
      %dma_wait3A_63 = arith.constant 0 : i32
      %dma_wait3A_64 = tpu.memref_slice %arg3[%add3A, %run_scoped3A_23, %dma_wait3A_62, %dma_wait3A_63] : memref<32x2x40x128xi32, #tpu.memory_space<hbm>> -> memref<1x1x40x128xi32, #tpu.memory_space<hbm>>
      %dma_wait3A_65 = tpu.memref_squeeze %dma_wait3A_64 : memref<1x1x40x128xi32, #tpu.memory_space<hbm>> -> memref<40x128xi32, #tpu.memory_space<hbm>>
      %dma_wait3A_66 = arith.constant 0 : i32
      %dma_wait3A_67 = arith.constant 0 : i32
      %dma_wait3A_68 = tpu.memref_slice %arg3[%add3A, %run_scoped3A_23, %dma_wait3A_66, %dma_wait3A_67] : memref<32x2x40x128xi32, #tpu.memory_space<hbm>> -> memref<1x1x40x128xi32, #tpu.memory_space<hbm>>
      %dma_wait3A_69 = tpu.memref_squeeze %dma_wait3A_68 : memref<1x1x40x128xi32, #tpu.memory_space<hbm>> -> memref<40x128xi32, #tpu.memory_space<hbm>>
      tpu.wait_dma2 semaphore(%run_scoped3A_53 : memref<!tpu.dma_semaphore, #tpu.memory_space<semaphore_mem>>) src(%dma_wait3A_69 : memref<40x128xi32, #tpu.memory_space<hbm>>) dst(%arg6 : memref<40x128xi32, #tpu.memory_space<vmem>>)
      tpu.yield
    }) : () -> ()
    %run_scoped3A_24 = arith.constant 1 : i32
    "tpu.region"() ({
      %run_scoped3A_53 = tpu.sem_alloc : memref<!tpu.dma_semaphore, #tpu.memory_space<semaphore_mem>>
      %dma_start3A_54 = arith.constant 0 : i32
      %dma_start3A_55 = arith.constant 0 : i32
      %dma_start3A_56 = tpu.memref_slice %arg4[%add3A, %run_scoped3A_24, %dma_start3A_54, %dma_start3A_55] : memref<32x2x40x128xi32, #tpu.memory_space<hbm>> -> memref<1x1x40x128xi32, #tpu.memory_space<hbm>>
      %dma_start3A_57 = tpu.memref_squeeze %dma_start3A_56 : memref<1x1x40x128xi32, #tpu.memory_space<hbm>> -> memref<40x128xi32, #tpu.memory_space<hbm>>
      %dma_start3A_58 = arith.constant 0 : i32
      %dma_start3A_59 = arith.constant 0 : i32
      %dma_start3A_60 = tpu.memref_slice %arg4[%add3A, %run_scoped3A_24, %dma_start3A_58, %dma_start3A_59] : memref<32x2x40x128xi32, #tpu.memory_space<hbm>> -> memref<1x1x40x128xi32, #tpu.memory_space<hbm>>
      %dma_start3A_61 = tpu.memref_squeeze %dma_start3A_60 : memref<1x1x40x128xi32, #tpu.memory_space<hbm>> -> memref<40x128xi32, #tpu.memory_space<hbm>>
      tpu.enqueue_dma source(%dma_start3A_61 : memref<40x128xi32, #tpu.memory_space<hbm>>) target(%arg7 : memref<40x128xi32, #tpu.memory_space<vmem>>) target_semaphore(%run_scoped3A_53 : memref<!tpu.dma_semaphore, #tpu.memory_space<semaphore_mem>>)
      %dma_wait3A_62 = arith.constant 0 : i32
      %dma_wait3A_63 = arith.constant 0 : i32
      %dma_wait3A_64 = tpu.memref_slice %arg4[%add3A, %run_scoped3A_24, %dma_wait3A_62, %dma_wait3A_63] : memref<32x2x40x128xi32, #tpu.memory_space<hbm>> -> memref<1x1x40x128xi32, #tpu.memory_space<hbm>>
      %dma_wait3A_65 = tpu.memref_squeeze %dma_wait3A_64 : memref<1x1x40x128xi32, #tpu.memory_space<hbm>> -> memref<40x128xi32, #tpu.memory_space<hbm>>
      %dma_wait3A_66 = arith.constant 0 : i32
      %dma_wait3A_67 = arith.constant 0 : i32
      %dma_wait3A_68 = tpu.memref_slice %arg4[%add3A, %run_scoped3A_24, %dma_wait3A_66, %dma_wait3A_67] : memref<32x2x40x128xi32, #tpu.memory_space<hbm>> -> memref<1x1x40x128xi32, #tpu.memory_space<hbm>>
      %dma_wait3A_69 = tpu.memref_squeeze %dma_wait3A_68 : memref<1x1x40x128xi32, #tpu.memory_space<hbm>> -> memref<40x128xi32, #tpu.memory_space<hbm>>
      tpu.wait_dma2 semaphore(%run_scoped3A_53 : memref<!tpu.dma_semaphore, #tpu.memory_space<semaphore_mem>>) src(%dma_wait3A_69 : memref<40x128xi32, #tpu.memory_space<hbm>>) dst(%arg7 : memref<40x128xi32, #tpu.memory_space<vmem>>)
      tpu.yield
    }) : () -> ()
    %dma_start3A_25 = arith.constant 0 : i32
    %dma_start3A_26 = arith.constant 0 : i32
    %dma_start3A_27 = tpu.memref_slice %arg6[%dma_start3A_25, %dma_start3A_26] : memref<40x128xi32, #tpu.memory_space<vmem>> -> memref<1x128xi32, #tpu.memory_space<vmem>>
    %dma_start3A_28 = tpu.memref_squeeze %dma_start3A_27 : memref<1x128xi32, #tpu.memory_space<vmem>> -> memref<128xi32, #tpu.memory_space<vmem>>
    %dma_start3A_29 = arith.constant 0 : i32
    %dma_start3A_30 = arith.constant 0 : i32
    %dma_start3A_31 = tpu.memref_slice %arg2[%dma_start3A_29, %dma_start3A_30] : memref<10000x128xf32, #tpu.memory_space<hbm>> -> memref<10000x128xf32, #tpu.memory_space<hbm>>
    tpu.enqueue_indirect_dma source(%dma_start3A_31 : memref<10000x128xf32, #tpu.memory_space<hbm>>) target(%arg8 : memref<128x128xf32, #tpu.memory_space<vmem>>) offsets(%dma_start3A_28 : memref<128xi32, #tpu.memory_space<vmem>>) semaphore(%arg11 : memref<!tpu.dma_semaphore, #tpu.memory_space<semaphore_mem>>)
    %scan3A_32 = arith.constant 0 : i32
    %scan3A_33 = arith.constant 0 : i32
    %scan3A_34 = arith.constant 20 : i32
    %scan3A_35 = arith.addi %scan3A_33, %scan3A_34 : i32
    %scan3A_36 = arith.constant 1 : i32
    scf.for %scan3A_53 = %scan3A_33 to %scan3A_35 step %scan3A_36  : i32 {
      %mul3A_54 = arith.constant 2 : i32
      %mul3A_55 = arith.muli %mul3A_54, %scan3A_53 : i32
      %add3A_56 = arith.constant 1 : i32
      %add3A_57 = arith.addi %mul3A_55, %add3A_56 : i32
      %dma_wait3A_58 = arith.constant 0 : i32
      %dma_wait3A_59 = tpu.memref_slice %arg6[%mul3A_55, %dma_wait3A_58] : memref<40x128xi32, #tpu.memory_space<vmem>> -> memref<1x128xi32, #tpu.memory_space<vmem>>
      %dma_wait3A_60 = tpu.memref_squeeze %dma_wait3A_59 : memref<1x128xi32, #tpu.memory_space<vmem>> -> memref<128xi32, #tpu.memory_space<vmem>>
      %dma_wait3A_61 = arith.constant 0 : i32
      %dma_wait3A_62 = arith.constant 0 : i32
      %dma_wait3A_63 = tpu.memref_slice %arg2[%dma_wait3A_61, %dma_wait3A_62] : memref<10000x128xf32, #tpu.memory_space<hbm>> -> memref<10000x128xf32, #tpu.memory_space<hbm>>
      tpu.wait_indirect_dma semaphore(%arg11 : memref<!tpu.dma_semaphore, #tpu.memory_space<semaphore_mem>>) src(%dma_wait3A_63 : memref<10000x128xf32, #tpu.memory_space<hbm>>) dst(%arg8 : memref<128x128xf32, #tpu.memory_space<vmem>>)
      %gt3A = arith.constant 0 : i32
      %gt3A_64 = arith.cmpi sgt, %scan3A_53, %gt3A : i32
      %convert_element_type3A = arith.extui %gt3A_64 : i1 to i32
      %cond3A = arith.constant 0 : i32
      %cond3A_65 = arith.cmpi ne, %convert_element_type3A, %cond3A : i32
      scf.if %cond3A_65 {
        %sub3A = arith.constant 2 : i32
        %sub3A_102 = arith.subi %add3A_57, %sub3A : i32
        %dma_wait3A_103 = arith.constant 0 : i32
        %dma_wait3A_104 = tpu.memref_slice %arg7[%sub3A_102, %dma_wait3A_103] : memref<40x128xi32, #tpu.memory_space<vmem>> -> memref<1x128xi32, #tpu.memory_space<vmem>>
        %dma_wait3A_105 = tpu.memref_squeeze %dma_wait3A_104 : memref<1x128xi32, #tpu.memory_space<vmem>> -> memref<128xi32, #tpu.memory_space<vmem>>
        %dma_wait3A_106 = arith.constant 0 : i32
        %dma_wait3A_107 = arith.constant 0 : i32
        %dma_wait3A_108 = tpu.memref_slice %arg10[%dma_wait3A_106, %dma_wait3A_107] : memref<10008x128xf32, #tpu.memory_space<vmem_shared>> -> memref<10008x128xf32, #tpu.memory_space<vmem_shared>>
        tpu.wait_indirect_dma semaphore(%arg14 : memref<!tpu.dma_semaphore, #tpu.memory_space<semaphore_mem>>) src(%arg9 : memref<128x128xf32, #tpu.memory_space<vmem>>) dst(%dma_wait3A_108 : memref<10008x128xf32, #tpu.memory_space<vmem_shared>>)
      } else {
      }
      %dma_start3A_66 = arith.constant 0 : i32
      %dma_start3A_67 = tpu.memref_slice %arg6[%add3A_57, %dma_start3A_66] : memref<40x128xi32, #tpu.memory_space<vmem>> -> memref<1x128xi32, #tpu.memory_space<vmem>>
      %dma_start3A_68 = tpu.memref_squeeze %dma_start3A_67 : memref<1x128xi32, #tpu.memory_space<vmem>> -> memref<128xi32, #tpu.memory_space<vmem>>
      %dma_start3A_69 = arith.constant 0 : i32
      %dma_start3A_70 = arith.constant 0 : i32
      %dma_start3A_71 = tpu.memref_slice %arg2[%dma_start3A_69, %dma_start3A_70] : memref<10000x128xf32, #tpu.memory_space<hbm>> -> memref<10000x128xf32, #tpu.memory_space<hbm>>
      tpu.enqueue_indirect_dma source(%dma_start3A_71 : memref<10000x128xf32, #tpu.memory_space<hbm>>) target(%arg9 : memref<128x128xf32, #tpu.memory_space<vmem>>) offsets(%dma_start3A_68 : memref<128xi32, #tpu.memory_space<vmem>>) semaphore(%arg12 : memref<!tpu.dma_semaphore, #tpu.memory_space<semaphore_mem>>)
      %dma_start3A_72 = arith.constant 0 : i32
      %dma_start3A_73 = tpu.memref_slice %arg7[%mul3A_55, %dma_start3A_72] : memref<40x128xi32, #tpu.memory_space<vmem>> -> memref<1x128xi32, #tpu.memory_space<vmem>>
      %dma_start3A_74 = tpu.memref_squeeze %dma_start3A_73 : memref<1x128xi32, #tpu.memory_space<vmem>> -> memref<128xi32, #tpu.memory_space<vmem>>
      %dma_start3A_75 = arith.constant 0 : i32
      %dma_start3A_76 = arith.constant 0 : i32
      %dma_start3A_77 = tpu.memref_slice %arg10[%dma_start3A_75, %dma_start3A_76] : memref<10008x128xf32, #tpu.memory_space<vmem_shared>> -> memref<10008x128xf32, #tpu.memory_space<vmem_shared>>
      tpu.enqueue_indirect_dma source(%arg8 : memref<128x128xf32, #tpu.memory_space<vmem>>) target(%dma_start3A_77 : memref<10008x128xf32, #tpu.memory_space<vmem_shared>>) offsets(%dma_start3A_74 : memref<128xi32, #tpu.memory_space<vmem>>) semaphore(%arg13 : memref<!tpu.dma_semaphore, #tpu.memory_space<semaphore_mem>>) {add = true}
      %dma_wait3A_78 = arith.constant 0 : i32
      %dma_wait3A_79 = tpu.memref_slice %arg6[%add3A_57, %dma_wait3A_78] : memref<40x128xi32, #tpu.memory_space<vmem>> -> memref<1x128xi32, #tpu.memory_space<vmem>>
      %dma_wait3A_80 = tpu.memref_squeeze %dma_wait3A_79 : memref<1x128xi32, #tpu.memory_space<vmem>> -> memref<128xi32, #tpu.memory_space<vmem>>
      %dma_wait3A_81 = arith.constant 0 : i32
      %dma_wait3A_82 = arith.constant 0 : i32
      %dma_wait3A_83 = tpu.memref_slice %arg2[%dma_wait3A_81, %dma_wait3A_82] : memref<10000x128xf32, #tpu.memory_space<hbm>> -> memref<10000x128xf32, #tpu.memory_space<hbm>>
      tpu.wait_indirect_dma semaphore(%arg12 : memref<!tpu.dma_semaphore, #tpu.memory_space<semaphore_mem>>) src(%dma_wait3A_83 : memref<10000x128xf32, #tpu.memory_space<hbm>>) dst(%arg9 : memref<128x128xf32, #tpu.memory_space<vmem>>)
      %dma_wait3A_84 = arith.constant 0 : i32
      %dma_wait3A_85 = tpu.memref_slice %arg7[%mul3A_55, %dma_wait3A_84] : memref<40x128xi32, #tpu.memory_space<vmem>> -> memref<1x128xi32, #tpu.memory_space<vmem>>
      %dma_wait3A_86 = tpu.memref_squeeze %dma_wait3A_85 : memref<1x128xi32, #tpu.memory_space<vmem>> -> memref<128xi32, #tpu.memory_space<vmem>>
      %dma_wait3A_87 = arith.constant 0 : i32
      %dma_wait3A_88 = arith.constant 0 : i32
      %dma_wait3A_89 = tpu.memref_slice %arg10[%dma_wait3A_87, %dma_wait3A_88] : memref<10008x128xf32, #tpu.memory_space<vmem_shared>> -> memref<10008x128xf32, #tpu.memory_space<vmem_shared>>
      tpu.wait_indirect_dma semaphore(%arg13 : memref<!tpu.dma_semaphore, #tpu.memory_space<semaphore_mem>>) src(%arg8 : memref<128x128xf32, #tpu.memory_space<vmem>>) dst(%dma_wait3A_89 : memref<10008x128xf32, #tpu.memory_space<vmem_shared>>)
      %add3A_90 = arith.constant 2 : i32
      %add3A_91 = arith.addi %mul3A_55, %add3A_90 : i32
      %lt3A = arith.constant 40 : i32
      %lt3A_92 = arith.cmpi slt, %add3A_91, %lt3A : i32
      %convert_element_type3A_93 = arith.extui %lt3A_92 : i1 to i32
      %cond3A_94 = arith.constant 0 : i32
      %cond3A_95 = arith.cmpi ne, %convert_element_type3A_93, %cond3A_94 : i32
      scf.if %cond3A_95 {
        %add3A_102 = arith.constant 2 : i32
        %add3A_103 = arith.addi %mul3A_55, %add3A_102 : i32
        %dma_start3A_104 = arith.constant 0 : i32
        %dma_start3A_105 = tpu.memref_slice %arg6[%add3A_103, %dma_start3A_104] : memref<40x128xi32, #tpu.memory_space<vmem>> -> memref<1x128xi32, #tpu.memory_space<vmem>>
        %dma_start3A_106 = tpu.memref_squeeze %dma_start3A_105 : memref<1x128xi32, #tpu.memory_space<vmem>> -> memref<128xi32, #tpu.memory_space<vmem>>
        %dma_start3A_107 = arith.constant 0 : i32
        %dma_start3A_108 = arith.constant 0 : i32
        %dma_start3A_109 = tpu.memref_slice %arg2[%dma_start3A_107, %dma_start3A_108] : memref<10000x128xf32, #tpu.memory_space<hbm>> -> memref<10000x128xf32, #tpu.memory_space<hbm>>
        tpu.enqueue_indirect_dma source(%dma_start3A_109 : memref<10000x128xf32, #tpu.memory_space<hbm>>) target(%arg8 : memref<128x128xf32, #tpu.memory_space<vmem>>) offsets(%dma_start3A_106 : memref<128xi32, #tpu.memory_space<vmem>>) semaphore(%arg11 : memref<!tpu.dma_semaphore, #tpu.memory_space<semaphore_mem>>)
      } else {
      }
      %dma_start3A_96 = arith.constant 0 : i32
      %dma_start3A_97 = tpu.memref_slice %arg7[%add3A_57, %dma_start3A_96] : memref<40x128xi32, #tpu.memory_space<vmem>> -> memref<1x128xi32, #tpu.memory_space<vmem>>
      %dma_start3A_98 = tpu.memref_squeeze %dma_start3A_97 : memref<1x128xi32, #tpu.memory_space<vmem>> -> memref<128xi32, #tpu.memory_space<vmem>>
      %dma_start3A_99 = arith.constant 0 : i32
      %dma_start3A_100 = arith.constant 0 : i32
      %dma_start3A_101 = tpu.memref_slice %arg10[%dma_start3A_99, %dma_start3A_100] : memref<10008x128xf32, #tpu.memory_space<vmem_shared>> -> memref<10008x128xf32, #tpu.memory_space<vmem_shared>>
      tpu.enqueue_indirect_dma source(%arg9 : memref<128x128xf32, #tpu.memory_space<vmem>>) target(%dma_start3A_101 : memref<10008x128xf32, #tpu.memory_space<vmem_shared>>) offsets(%dma_start3A_98 : memref<128xi32, #tpu.memory_space<vmem>>) semaphore(%arg14 : memref<!tpu.dma_semaphore, #tpu.memory_space<semaphore_mem>>) {add = true}
    }
    %scan3A_37 = arith.constant 20 : i32
    %dma_wait3A_38 = arith.constant 39 : i32
    %dma_wait3A_39 = arith.constant 0 : i32
    %dma_wait3A_40 = tpu.memref_slice %arg7[%dma_wait3A_38, %dma_wait3A_39] : memref<40x128xi32, #tpu.memory_space<vmem>> -> memref<1x128xi32, #tpu.memory_space<vmem>>
    %dma_wait3A_41 = tpu.memref_squeeze %dma_wait3A_40 : memref<1x128xi32, #tpu.memory_space<vmem>> -> memref<128xi32, #tpu.memory_space<vmem>>
    %dma_wait3A_42 = arith.constant 0 : i32
    %dma_wait3A_43 = arith.constant 0 : i32
    %dma_wait3A_44 = tpu.memref_slice %arg10[%dma_wait3A_42, %dma_wait3A_43] : memref<10008x128xf32, #tpu.memory_space<vmem_shared>> -> memref<10008x128xf32, #tpu.memory_space<vmem_shared>>
    tpu.wait_indirect_dma semaphore(%arg14 : memref<!tpu.dma_semaphore, #tpu.memory_space<semaphore_mem>>) src(%arg9 : memref<128x128xf32, #tpu.memory_space<vmem>>) dst(%dma_wait3A_44 : memref<10008x128xf32, #tpu.memory_space<vmem_shared>>)
    %barrier3A_45 = arith.constant 0 : index
    tpu.barrier barrier_id(%barrier3A_45)
    %mul3A_46 = arith.constant 624 : i32
    %mul3A_47 = arith.muli %arg1, %mul3A_46 : i32
    %mul3A_48 = arith.constant 10000 : i32
    %mul3A_49 = arith.muli %arg0, %mul3A_48 : i32
    %mul3A_50 = arith.constant 624 : i32
    %mul3A_51 = arith.muli %arg1, %mul3A_50 : i32
    %add3A_52 = arith.addi %mul3A_49, %mul3A_51 : i32
    "tpu.region"() ({
      %run_scoped3A_53 = tpu.sem_alloc : memref<!tpu.dma_semaphore, #tpu.memory_space<semaphore_mem>>
      %dma_start3A_54 = arith.constant 0 : i32
      %dma_start3A_55 = tpu.memref_slice %arg5[%add3A_52, %dma_start3A_54] : memref<20000x128xf32, #tpu.memory_space<hbm>> -> memref<640x128xf32, #tpu.memory_space<hbm>>
      %dma_start3A_56 = arith.constant 0 : i32
      %dma_start3A_57 = tpu.memref_slice %arg10[%mul3A_47, %dma_start3A_56] : memref<10008x128xf32, #tpu.memory_space<vmem_shared>> -> memref<640x128xf32, #tpu.memory_space<vmem_shared>>
      tpu.enqueue_dma source(%dma_start3A_57 : memref<640x128xf32, #tpu.memory_space<vmem_shared>>) target(%dma_start3A_55 : memref<640x128xf32, #tpu.memory_space<hbm>>) target_semaphore(%run_scoped3A_53 : memref<!tpu.dma_semaphore, #tpu.memory_space<semaphore_mem>>)
      %dma_wait3A_58 = arith.constant 0 : i32
      %dma_wait3A_59 = tpu.memref_slice %arg5[%add3A_52, %dma_wait3A_58] : memref<20000x128xf32, #tpu.memory_space<hbm>> -> memref<640x128xf32, #tpu.memory_space<hbm>>
      %dma_wait3A_60 = arith.constant 0 : i32
      %dma_wait3A_61 = tpu.memref_slice %arg10[%mul3A_47, %dma_wait3A_60] : memref<10008x128xf32, #tpu.memory_space<vmem_shared>> -> memref<640x128xf32, #tpu.memory_space<vmem_shared>>
      tpu.wait_dma2 semaphore(%run_scoped3A_53 : memref<!tpu.dma_semaphore, #tpu.memory_space<semaphore_mem>>) src(%dma_wait3A_61 : memref<640x128xf32, #tpu.memory_space<vmem_shared>>) dst(%dma_wait3A_59 : memref<640x128xf32, #tpu.memory_space<hbm>>)
      tpu.yield
    }) : () -> ()
    return
  }
}

#map = affine_map<(d0, d1) -> (0, 0)>
#map1 = affine_map<(d0, d1) -> (0, 0, 0, 0)>
module attributes {stable_mosaic.version = 14 : i64} {
  func.func @agg(%arg0: i32, %arg1: i32, %arg2: memref<10000x128xf32, #tpu.memory_space<hbm>>, %arg3: memref<32x2x40x128xi32, #tpu.memory_space<hbm>>, %arg4: memref<32x2x40x128xi32, #tpu.memory_space<hbm>>, %arg5: memref<20000x128xf32, #tpu.memory_space<hbm>>, %arg6: memref<40x128xi32, #tpu.memory_space<vmem>>, %arg7: memref<40x128xi32, #tpu.memory_space<vmem>>, %arg8: memref<128x128xf32, #tpu.memory_space<vmem>>, %arg9: memref<128x128xf32, #tpu.memory_space<vmem>>, %arg10: memref<10008x128xf32, #tpu.memory_space<vmem_shared>>, %arg11: memref<!tpu.dma_semaphore, #tpu.memory_space<semaphore_mem>>, %arg12: memref<!tpu.dma_semaphore, #tpu.memory_space<semaphore_mem>>, %arg13: memref<!tpu.dma_semaphore, #tpu.memory_space<semaphore_mem>>, %arg14: memref<!tpu.dma_semaphore, #tpu.memory_space<semaphore_mem>>) attributes {dimension_semantics = [#tpu.dimension_semantics<core_parallel>, #tpu.dimension_semantics<subcore_parallel>], iteration_bounds = array<i64: 2, 16>, scalar_prefetch = 0 : i64, scratch_operands = 9 : i64, tpu.core_type = #tpu.core_type<sc_vector_subcore>, window_params = [{transform_indices = #map}, {transform_indices = #map1}, {transform_indices = #map1}, {transform_indices = #map}]} {
    %mul3A = arith.constant 2 : i32
    %mul3A_0 = arith.muli %arg1, %mul3A : i32
    %add3A = arith.addi %mul3A_0, %arg0 : i32
    %mul3A_1 = arith.constant 624 : i32
    %mul3A_2 = arith.muli %arg1, %mul3A_1 : i32
    %mul3A_3 = arith.constant 624 : i32
    %mul3A_4 = arith.muli %arg1, %mul3A_3 : i32
    "tpu.region"() ({
      %run_scoped3A_53 = tpu.sem_alloc : memref<!tpu.dma_semaphore, #tpu.memory_space<semaphore_mem>>
      %dma_start3A_54 = arith.constant 0 : i32
      %dma_start3A_55 = tpu.memref_slice %arg10[%mul3A_4, %dma_start3A_54] : memref<10008x128xf32, #tpu.memory_space<vmem_shared>> -> memref<640x128xf32, #tpu.memory_space<vmem_shared>>
      %dma_start3A_56 = arith.constant 0 : i32
      %dma_start3A_57 = tpu.memref_slice %arg2[%mul3A_2, %dma_start3A_56] : memref<10000x128xf32, #tpu.memory_space<hbm>> -> memref<640x128xf32, #tpu.memory_space<hbm>>
      tpu.enqueue_dma source(%dma_start3A_57 : memref<640x128xf32, #tpu.memory_space<hbm>>) target(%dma_start3A_55 : memref<640x128xf32, #tpu.memory_space<vmem_shared>>) target_semaphore(%run_scoped3A_53 : memref<!tpu.dma_semaphore, #tpu.memory_space<semaphore_mem>>)
      %dma_wait3A_58 = arith.constant 0 : i32
      %dma_wait3A_59 = tpu.memref_slice %arg10[%mul3A_4, %dma_wait3A_58] : memref<10008x128xf32, #tpu.memory_space<vmem_shared>> -> memref<640x128xf32, #tpu.memory_space<vmem_shared>>
      %dma_wait3A_60 = arith.constant 0 : i32
      %dma_wait3A_61 = tpu.memref_slice %arg2[%mul3A_2, %dma_wait3A_60] : memref<10000x128xf32, #tpu.memory_space<hbm>> -> memref<640x128xf32, #tpu.memory_space<hbm>>
      tpu.wait_dma2 semaphore(%run_scoped3A_53 : memref<!tpu.dma_semaphore, #tpu.memory_space<semaphore_mem>>) src(%dma_wait3A_61 : memref<640x128xf32, #tpu.memory_space<hbm>>) dst(%dma_wait3A_59 : memref<640x128xf32, #tpu.memory_space<vmem_shared>>)
      tpu.yield
    }) : () -> ()
    %barrier3A = arith.constant 0 : index
    tpu.barrier barrier_id(%barrier3A)
    %run_scoped3A = arith.constant 0 : i32
    "tpu.region"() ({
      %run_scoped3A_53 = tpu.sem_alloc : memref<!tpu.dma_semaphore, #tpu.memory_space<semaphore_mem>>
      %dma_start3A_54 = arith.constant 0 : i32
      %dma_start3A_55 = arith.constant 0 : i32
      %dma_start3A_56 = tpu.memref_slice %arg3[%add3A, %run_scoped3A, %dma_start3A_54, %dma_start3A_55] : memref<32x2x40x128xi32, #tpu.memory_space<hbm>> -> memref<1x1x40x128xi32, #tpu.memory_space<hbm>>
      %dma_start3A_57 = tpu.memref_squeeze %dma_start3A_56 : memref<1x1x40x128xi32, #tpu.memory_space<hbm>> -> memref<40x128xi32, #tpu.memory_space<hbm>>
      %dma_start3A_58 = arith.constant 0 : i32
      %dma_start3A_59 = arith.constant 0 : i32
      %dma_start3A_60 = tpu.memref_slice %arg3[%add3A, %run_scoped3A, %dma_start3A_58, %dma_start3A_59] : memref<32x2x40x128xi32, #tpu.memory_space<hbm>> -> memref<1x1x40x128xi32, #tpu.memory_space<hbm>>
      %dma_start3A_61 = tpu.memref_squeeze %dma_start3A_60 : memref<1x1x40x128xi32, #tpu.memory_space<hbm>> -> memref<40x128xi32, #tpu.memory_space<hbm>>
      tpu.enqueue_dma source(%dma_start3A_61 : memref<40x128xi32, #tpu.memory_space<hbm>>) target(%arg6 : memref<40x128xi32, #tpu.memory_space<vmem>>) target_semaphore(%run_scoped3A_53 : memref<!tpu.dma_semaphore, #tpu.memory_space<semaphore_mem>>)
      %dma_wait3A_62 = arith.constant 0 : i32
      %dma_wait3A_63 = arith.constant 0 : i32
      %dma_wait3A_64 = tpu.memref_slice %arg3[%add3A, %run_scoped3A, %dma_wait3A_62, %dma_wait3A_63] : memref<32x2x40x128xi32, #tpu.memory_space<hbm>> -> memref<1x1x40x128xi32, #tpu.memory_space<hbm>>
      %dma_wait3A_65 = tpu.memref_squeeze %dma_wait3A_64 : memref<1x1x40x128xi32, #tpu.memory_space<hbm>> -> memref<40x128xi32, #tpu.memory_space<hbm>>
      %dma_wait3A_66 = arith.constant 0 : i32
      %dma_wait3A_67 = arith.constant 0 : i32
      %dma_wait3A_68 = tpu.memref_slice %arg3[%add3A, %run_scoped3A, %dma_wait3A_66, %dma_wait3A_67] : memref<32x2x40x128xi32, #tpu.memory_space<hbm>> -> memref<1x1x40x128xi32, #tpu.memory_space<hbm>>
      %dma_wait3A_69 = tpu.memref_squeeze %dma_wait3A_68 : memref<1x1x40x128xi32, #tpu.memory_space<hbm>> -> memref<40x128xi32, #tpu.memory_space<hbm>>
      tpu.wait_dma2 semaphore(%run_scoped3A_53 : memref<!tpu.dma_semaphore, #tpu.memory_space<semaphore_mem>>) src(%dma_wait3A_69 : memref<40x128xi32, #tpu.memory_space<hbm>>) dst(%arg6 : memref<40x128xi32, #tpu.memory_space<vmem>>)
      tpu.yield
    }) : () -> ()
    %run_scoped3A_5 = arith.constant 0 : i32
    "tpu.region"() ({
      %run_scoped3A_53 = tpu.sem_alloc : memref<!tpu.dma_semaphore, #tpu.memory_space<semaphore_mem>>
      %dma_start3A_54 = arith.constant 0 : i32
      %dma_start3A_55 = arith.constant 0 : i32
      %dma_start3A_56 = tpu.memref_slice %arg4[%add3A, %run_scoped3A_5, %dma_start3A_54, %dma_start3A_55] : memref<32x2x40x128xi32, #tpu.memory_space<hbm>> -> memref<1x1x40x128xi32, #tpu.memory_space<hbm>>
      %dma_start3A_57 = tpu.memref_squeeze %dma_start3A_56 : memref<1x1x40x128xi32, #tpu.memory_space<hbm>> -> memref<40x128xi32, #tpu.memory_space<hbm>>
      %dma_start3A_58 = arith.constant 0 : i32
      %dma_start3A_59 = arith.constant 0 : i32
      %dma_start3A_60 = tpu.memref_slice %arg4[%add3A, %run_scoped3A_5, %dma_start3A_58, %dma_start3A_59] : memref<32x2x40x128xi32, #tpu.memory_space<hbm>> -> memref<1x1x40x128xi32, #tpu.memory_space<hbm>>
      %dma_start3A_61 = tpu.memref_squeeze %dma_start3A_60 : memref<1x1x40x128xi32, #tpu.memory_space<hbm>> -> memref<40x128xi32, #tpu.memory_space<hbm>>
      tpu.enqueue_dma source(%dma_start3A_61 : memref<40x128xi32, #tpu.memory_space<hbm>>) target(%arg7 : memref<40x128xi32, #tpu.memory_space<vmem>>) target_semaphore(%run_scoped3A_53 : memref<!tpu.dma_semaphore, #tpu.memory_space<semaphore_mem>>)
      %dma_wait3A_62 = arith.constant 0 : i32
      %dma_wait3A_63 = arith.constant 0 : i32
      %dma_wait3A_64 = tpu.memref_slice %arg4[%add3A, %run_scoped3A_5, %dma_wait3A_62, %dma_wait3A_63] : memref<32x2x40x128xi32, #tpu.memory_space<hbm>> -> memref<1x1x40x128xi32, #tpu.memory_space<hbm>>
      %dma_wait3A_65 = tpu.memref_squeeze %dma_wait3A_64 : memref<1x1x40x128xi32, #tpu.memory_space<hbm>> -> memref<40x128xi32, #tpu.memory_space<hbm>>
      %dma_wait3A_66 = arith.constant 0 : i32
      %dma_wait3A_67 = arith.constant 0 : i32
      %dma_wait3A_68 = tpu.memref_slice %arg4[%add3A, %run_scoped3A_5, %dma_wait3A_66, %dma_wait3A_67] : memref<32x2x40x128xi32, #tpu.memory_space<hbm>> -> memref<1x1x40x128xi32, #tpu.memory_space<hbm>>
      %dma_wait3A_69 = tpu.memref_squeeze %dma_wait3A_68 : memref<1x1x40x128xi32, #tpu.memory_space<hbm>> -> memref<40x128xi32, #tpu.memory_space<hbm>>
      tpu.wait_dma2 semaphore(%run_scoped3A_53 : memref<!tpu.dma_semaphore, #tpu.memory_space<semaphore_mem>>) src(%dma_wait3A_69 : memref<40x128xi32, #tpu.memory_space<hbm>>) dst(%arg7 : memref<40x128xi32, #tpu.memory_space<vmem>>)
      tpu.yield
    }) : () -> ()
    %dma_start3A = arith.constant 0 : i32
    %dma_start3A_6 = arith.constant 0 : i32
    %dma_start3A_7 = tpu.memref_slice %arg6[%dma_start3A, %dma_start3A_6] : memref<40x128xi32, #tpu.memory_space<vmem>> -> memref<1x128xi32, #tpu.memory_space<vmem>>
    %dma_start3A_8 = tpu.memref_squeeze %dma_start3A_7 : memref<1x128xi32, #tpu.memory_space<vmem>> -> memref<128xi32, #tpu.memory_space<vmem>>
    %dma_start3A_9 = arith.constant 0 : i32
    %dma_start3A_10 = arith.constant 0 : i32
    %dma_start3A_11 = tpu.memref_slice %arg2[%dma_start3A_9, %dma_start3A_10] : memref<10000x128xf32, #tpu.memory_space<hbm>> -> memref<10000x128xf32, #tpu.memory_space<hbm>>
    tpu.enqueue_indirect_dma source(%dma_start3A_11 : memref<10000x128xf32, #tpu.memory_space<hbm>>) target(%arg8 : memref<128x128xf32, #tpu.memory_space<vmem>>) offsets(%dma_start3A_8 : memref<128xi32, #tpu.memory_space<vmem>>) semaphore(%arg11 : memref<!tpu.dma_semaphore, #tpu.memory_space<semaphore_mem>>)
    %scan3A = arith.constant 0 : i32
    %scan3A_12 = arith.constant 0 : i32
    %scan3A_13 = arith.constant 20 : i32
    %scan3A_14 = arith.addi %scan3A_12, %scan3A_13 : i32
    %scan3A_15 = arith.constant 1 : i32
    scf.for %scan3A_53 = %scan3A_12 to %scan3A_14 step %scan3A_15  : i32 {
      %mul3A_54 = arith.constant 2 : i32
      %mul3A_55 = arith.muli %mul3A_54, %scan3A_53 : i32
      %add3A_56 = arith.constant 1 : i32
      %add3A_57 = arith.addi %mul3A_55, %add3A_56 : i32
      %dma_wait3A_58 = arith.constant 0 : i32
      %dma_wait3A_59 = tpu.memref_slice %arg6[%mul3A_55, %dma_wait3A_58] : memref<40x128xi32, #tpu.memory_space<vmem>> -> memref<1x128xi32, #tpu.memory_space<vmem>>
      %dma_wait3A_60 = tpu.memref_squeeze %dma_wait3A_59 : memref<1x128xi32, #tpu.memory_space<vmem>> -> memref<128xi32, #tpu.memory_space<vmem>>
      %dma_wait3A_61 = arith.constant 0 : i32
      %dma_wait3A_62 = arith.constant 0 : i32
      %dma_wait3A_63 = tpu.memref_slice %arg2[%dma_wait3A_61, %dma_wait3A_62] : memref<10000x128xf32, #tpu.memory_space<hbm>> -> memref<10000x128xf32, #tpu.memory_space<hbm>>
      tpu.wait_indirect_dma semaphore(%arg11 : memref<!tpu.dma_semaphore, #tpu.memory_space<semaphore_mem>>) src(%dma_wait3A_63 : memref<10000x128xf32, #tpu.memory_space<hbm>>) dst(%arg8 : memref<128x128xf32, #tpu.memory_space<vmem>>)
      %gt3A = arith.constant 0 : i32
      %gt3A_64 = arith.cmpi sgt, %scan3A_53, %gt3A : i32
      %convert_element_type3A = arith.extui %gt3A_64 : i1 to i32
      %cond3A = arith.constant 0 : i32
      %cond3A_65 = arith.cmpi ne, %convert_element_type3A, %cond3A : i32
      scf.if %cond3A_65 {
        %sub3A = arith.constant 2 : i32
        %sub3A_102 = arith.subi %add3A_57, %sub3A : i32
        %dma_wait3A_103 = arith.constant 0 : i32
        %dma_wait3A_104 = tpu.memref_slice %arg7[%sub3A_102, %dma_wait3A_103] : memref<40x128xi32, #tpu.memory_space<vmem>> -> memref<1x128xi32, #tpu.memory_space<vmem>>
        %dma_wait3A_105 = tpu.memref_squeeze %dma_wait3A_104 : memref<1x128xi32, #tpu.memory_space<vmem>> -> memref<128xi32, #tpu.memory_space<vmem>>
        %dma_wait3A_106 = arith.constant 0 : i32
        %dma_wait3A_107 = arith.constant 0 : i32
        %dma_wait3A_108 = tpu.memref_slice %arg10[%dma_wait3A_106, %dma_wait3A_107] : memref<10008x128xf32, #tpu.memory_space<vmem_shared>> -> memref<10008x128xf32, #tpu.memory_space<vmem_shared>>
        tpu.wait_indirect_dma semaphore(%arg14 : memref<!tpu.dma_semaphore, #tpu.memory_space<semaphore_mem>>) src(%arg9 : memref<128x128xf32, #tpu.memory_space<vmem>>) dst(%dma_wait3A_108 : memref<10008x128xf32, #tpu.memory_space<vmem_shared>>)
      } else {
      }
      %dma_start3A_66 = arith.constant 0 : i32
      %dma_start3A_67 = tpu.memref_slice %arg6[%add3A_57, %dma_start3A_66] : memref<40x128xi32, #tpu.memory_space<vmem>> -> memref<1x128xi32, #tpu.memory_space<vmem>>
      %dma_start3A_68 = tpu.memref_squeeze %dma_start3A_67 : memref<1x128xi32, #tpu.memory_space<vmem>> -> memref<128xi32, #tpu.memory_space<vmem>>
      %dma_start3A_69 = arith.constant 0 : i32
      %dma_start3A_70 = arith.constant 0 : i32
      %dma_start3A_71 = tpu.memref_slice %arg2[%dma_start3A_69, %dma_start3A_70] : memref<10000x128xf32, #tpu.memory_space<hbm>> -> memref<10000x128xf32, #tpu.memory_space<hbm>>
      tpu.enqueue_indirect_dma source(%dma_start3A_71 : memref<10000x128xf32, #tpu.memory_space<hbm>>) target(%arg9 : memref<128x128xf32, #tpu.memory_space<vmem>>) offsets(%dma_start3A_68 : memref<128xi32, #tpu.memory_space<vmem>>) semaphore(%arg12 : memref<!tpu.dma_semaphore, #tpu.memory_space<semaphore_mem>>)
      %dma_start3A_72 = arith.constant 0 : i32
      %dma_start3A_73 = tpu.memref_slice %arg7[%mul3A_55, %dma_start3A_72] : memref<40x128xi32, #tpu.memory_space<vmem>> -> memref<1x128xi32, #tpu.memory_space<vmem>>
      %dma_start3A_74 = tpu.memref_squeeze %dma_start3A_73 : memref<1x128xi32, #tpu.memory_space<vmem>> -> memref<128xi32, #tpu.memory_space<vmem>>
      %dma_start3A_75 = arith.constant 0 : i32
      %dma_start3A_76 = arith.constant 0 : i32
      %dma_start3A_77 = tpu.memref_slice %arg10[%dma_start3A_75, %dma_start3A_76] : memref<10008x128xf32, #tpu.memory_space<vmem_shared>> -> memref<10008x128xf32, #tpu.memory_space<vmem_shared>>
      tpu.enqueue_indirect_dma source(%arg8 : memref<128x128xf32, #tpu.memory_space<vmem>>) target(%dma_start3A_77 : memref<10008x128xf32, #tpu.memory_space<vmem_shared>>) offsets(%dma_start3A_74 : memref<128xi32, #tpu.memory_space<vmem>>) semaphore(%arg13 : memref<!tpu.dma_semaphore, #tpu.memory_space<semaphore_mem>>) {add = true}
      %dma_wait3A_78 = arith.constant 0 : i32
      %dma_wait3A_79 = tpu.memref_slice %arg6[%add3A_57, %dma_wait3A_78] : memref<40x128xi32, #tpu.memory_space<vmem>> -> memref<1x128xi32, #tpu.memory_space<vmem>>
      %dma_wait3A_80 = tpu.memref_squeeze %dma_wait3A_79 : memref<1x128xi32, #tpu.memory_space<vmem>> -> memref<128xi32, #tpu.memory_space<vmem>>
      %dma_wait3A_81 = arith.constant 0 : i32
      %dma_wait3A_82 = arith.constant 0 : i32
      %dma_wait3A_83 = tpu.memref_slice %arg2[%dma_wait3A_81, %dma_wait3A_82] : memref<10000x128xf32, #tpu.memory_space<hbm>> -> memref<10000x128xf32, #tpu.memory_space<hbm>>
      tpu.wait_indirect_dma semaphore(%arg12 : memref<!tpu.dma_semaphore, #tpu.memory_space<semaphore_mem>>) src(%dma_wait3A_83 : memref<10000x128xf32, #tpu.memory_space<hbm>>) dst(%arg9 : memref<128x128xf32, #tpu.memory_space<vmem>>)
      %dma_wait3A_84 = arith.constant 0 : i32
      %dma_wait3A_85 = tpu.memref_slice %arg7[%mul3A_55, %dma_wait3A_84] : memref<40x128xi32, #tpu.memory_space<vmem>> -> memref<1x128xi32, #tpu.memory_space<vmem>>
      %dma_wait3A_86 = tpu.memref_squeeze %dma_wait3A_85 : memref<1x128xi32, #tpu.memory_space<vmem>> -> memref<128xi32, #tpu.memory_space<vmem>>
      %dma_wait3A_87 = arith.constant 0 : i32
      %dma_wait3A_88 = arith.constant 0 : i32
      %dma_wait3A_89 = tpu.memref_slice %arg10[%dma_wait3A_87, %dma_wait3A_88] : memref<10008x128xf32, #tpu.memory_space<vmem_shared>> -> memref<10008x128xf32, #tpu.memory_space<vmem_shared>>
      tpu.wait_indirect_dma semaphore(%arg13 : memref<!tpu.dma_semaphore, #tpu.memory_space<semaphore_mem>>) src(%arg8 : memref<128x128xf32, #tpu.memory_space<vmem>>) dst(%dma_wait3A_89 : memref<10008x128xf32, #tpu.memory_space<vmem_shared>>)
      %add3A_90 = arith.constant 2 : i32
      %add3A_91 = arith.addi %mul3A_55, %add3A_90 : i32
      %lt3A = arith.constant 40 : i32
      %lt3A_92 = arith.cmpi slt, %add3A_91, %lt3A : i32
      %convert_element_type3A_93 = arith.extui %lt3A_92 : i1 to i32
      %cond3A_94 = arith.constant 0 : i32
      %cond3A_95 = arith.cmpi ne, %convert_element_type3A_93, %cond3A_94 : i32
      scf.if %cond3A_95 {
        %add3A_102 = arith.constant 2 : i32
        %add3A_103 = arith.addi %mul3A_55, %add3A_102 : i32
        %dma_start3A_104 = arith.constant 0 : i32
        %dma_start3A_105 = tpu.memref_slice %arg6[%add3A_103, %dma_start3A_104] : memref<40x128xi32, #tpu.memory_space<vmem>> -> memref<1x128xi32, #tpu.memory_space<vmem>>
        %dma_start3A_106 = tpu.memref_squeeze %dma_start3A_105 : memref<1x128xi32, #tpu.memory_space<vmem>> -> memref<128xi32, #tpu.memory_space<vmem>>
        %dma_start3A_107 = arith.constant 0 : i32
        %dma_start3A_108 = arith.constant 0 : i32
        %dma_start3A_109 = tpu.memref_slice %arg2[%dma_start3A_107, %dma_start3A_108] : memref<10000x128xf32, #tpu.memory_space<hbm>> -> memref<10000x128xf32, #tpu.memory_space<hbm>>
        tpu.enqueue_indirect_dma source(%dma_start3A_109 : memref<10000x128xf32, #tpu.memory_space<hbm>>) target(%arg8 : memref<128x128xf32, #tpu.memory_space<vmem>>) offsets(%dma_start3A_106 : memref<128xi32, #tpu.memory_space<vmem>>) semaphore(%arg11 : memref<!tpu.dma_semaphore, #tpu.memory_space<semaphore_mem>>)
      } else {
      }
      %dma_start3A_96 = arith.constant 0 : i32
      %dma_start3A_97 = tpu.memref_slice %arg7[%add3A_57, %dma_start3A_96] : memref<40x128xi32, #tpu.memory_space<vmem>> -> memref<1x128xi32, #tpu.memory_space<vmem>>
      %dma_start3A_98 = tpu.memref_squeeze %dma_start3A_97 : memref<1x128xi32, #tpu.memory_space<vmem>> -> memref<128xi32, #tpu.memory_space<vmem>>
      %dma_start3A_99 = arith.constant 0 : i32
      %dma_start3A_100 = arith.constant 0 : i32
      %dma_start3A_101 = tpu.memref_slice %arg10[%dma_start3A_99, %dma_start3A_100] : memref<10008x128xf32, #tpu.memory_space<vmem_shared>> -> memref<10008x128xf32, #tpu.memory_space<vmem_shared>>
      tpu.enqueue_indirect_dma source(%arg9 : memref<128x128xf32, #tpu.memory_space<vmem>>) target(%dma_start3A_101 : memref<10008x128xf32, #tpu.memory_space<vmem_shared>>) offsets(%dma_start3A_98 : memref<128xi32, #tpu.memory_space<vmem>>) semaphore(%arg14 : memref<!tpu.dma_semaphore, #tpu.memory_space<semaphore_mem>>) {add = true}
    }
    %scan3A_16 = arith.constant 20 : i32
    %dma_wait3A = arith.constant 39 : i32
    %dma_wait3A_17 = arith.constant 0 : i32
    %dma_wait3A_18 = tpu.memref_slice %arg7[%dma_wait3A, %dma_wait3A_17] : memref<40x128xi32, #tpu.memory_space<vmem>> -> memref<1x128xi32, #tpu.memory_space<vmem>>
    %dma_wait3A_19 = tpu.memref_squeeze %dma_wait3A_18 : memref<1x128xi32, #tpu.memory_space<vmem>> -> memref<128xi32, #tpu.memory_space<vmem>>
    %dma_wait3A_20 = arith.constant 0 : i32
    %dma_wait3A_21 = arith.constant 0 : i32
    %dma_wait3A_22 = tpu.memref_slice %arg10[%dma_wait3A_20, %dma_wait3A_21] : memref<10008x128xf32, #tpu.memory_space<vmem_shared>> -> memref<10008x128xf32, #tpu.memory_space<vmem_shared>>
    tpu.wait_indirect_dma semaphore(%arg14 : memref<!tpu.dma_semaphore, #tpu.memory_space<semaphore_mem>>) src(%arg9 : memref<128x128xf32, #tpu.memory_space<vmem>>) dst(%dma_wait3A_22 : memref<10008x128xf32, #tpu.memory_space<vmem_shared>>)
    %run_scoped3A_23 = arith.constant 1 : i32
    "tpu.region"() ({
      %run_scoped3A_53 = tpu.sem_alloc : memref<!tpu.dma_semaphore, #tpu.memory_space<semaphore_mem>>
      %dma_start3A_54 = arith.constant 0 : i32
      %dma_start3A_55 = arith.constant 0 : i32
      %dma_start3A_56 = tpu.memref_slice %arg3[%add3A, %run_scoped3A_23, %dma_start3A_54, %dma_start3A_55] : memref<32x2x40x128xi32, #tpu.memory_space<hbm>> -> memref<1x1x40x128xi32, #tpu.memory_space<hbm>>
      %dma_start3A_57 = tpu.memref_squeeze %dma_start3A_56 : memref<1x1x40x128xi32, #tpu.memory_space<hbm>> -> memref<40x128xi32, #tpu.memory_space<hbm>>
      %dma_start3A_58 = arith.constant 0 : i32
      %dma_start3A_59 = arith.constant 0 : i32
      %dma_start3A_60 = tpu.memref_slice %arg3[%add3A, %run_scoped3A_23, %dma_start3A_58, %dma_start3A_59] : memref<32x2x40x128xi32, #tpu.memory_space<hbm>> -> memref<1x1x40x128xi32, #tpu.memory_space<hbm>>
      %dma_start3A_61 = tpu.memref_squeeze %dma_start3A_60 : memref<1x1x40x128xi32, #tpu.memory_space<hbm>> -> memref<40x128xi32, #tpu.memory_space<hbm>>
      tpu.enqueue_dma source(%dma_start3A_61 : memref<40x128xi32, #tpu.memory_space<hbm>>) target(%arg6 : memref<40x128xi32, #tpu.memory_space<vmem>>) target_semaphore(%run_scoped3A_53 : memref<!tpu.dma_semaphore, #tpu.memory_space<semaphore_mem>>)
      %dma_wait3A_62 = arith.constant 0 : i32
      %dma_wait3A_63 = arith.constant 0 : i32
      %dma_wait3A_64 = tpu.memref_slice %arg3[%add3A, %run_scoped3A_23, %dma_wait3A_62, %dma_wait3A_63] : memref<32x2x40x128xi32, #tpu.memory_space<hbm>> -> memref<1x1x40x128xi32, #tpu.memory_space<hbm>>
      %dma_wait3A_65 = tpu.memref_squeeze %dma_wait3A_64 : memref<1x1x40x128xi32, #tpu.memory_space<hbm>> -> memref<40x128xi32, #tpu.memory_space<hbm>>
      %dma_wait3A_66 = arith.constant 0 : i32
      %dma_wait3A_67 = arith.constant 0 : i32
      %dma_wait3A_68 = tpu.memref_slice %arg3[%add3A, %run_scoped3A_23, %dma_wait3A_66, %dma_wait3A_67] : memref<32x2x40x128xi32, #tpu.memory_space<hbm>> -> memref<1x1x40x128xi32, #tpu.memory_space<hbm>>
      %dma_wait3A_69 = tpu.memref_squeeze %dma_wait3A_68 : memref<1x1x40x128xi32, #tpu.memory_space<hbm>> -> memref<40x128xi32, #tpu.memory_space<hbm>>
      tpu.wait_dma2 semaphore(%run_scoped3A_53 : memref<!tpu.dma_semaphore, #tpu.memory_space<semaphore_mem>>) src(%dma_wait3A_69 : memref<40x128xi32, #tpu.memory_space<hbm>>) dst(%arg6 : memref<40x128xi32, #tpu.memory_space<vmem>>)
      tpu.yield
    }) : () -> ()
    %run_scoped3A_24 = arith.constant 1 : i32
    "tpu.region"() ({
      %run_scoped3A_53 = tpu.sem_alloc : memref<!tpu.dma_semaphore, #tpu.memory_space<semaphore_mem>>
      %dma_start3A_54 = arith.constant 0 : i32
      %dma_start3A_55 = arith.constant 0 : i32
      %dma_start3A_56 = tpu.memref_slice %arg4[%add3A, %run_scoped3A_24, %dma_start3A_54, %dma_start3A_55] : memref<32x2x40x128xi32, #tpu.memory_space<hbm>> -> memref<1x1x40x128xi32, #tpu.memory_space<hbm>>
      %dma_start3A_57 = tpu.memref_squeeze %dma_start3A_56 : memref<1x1x40x128xi32, #tpu.memory_space<hbm>> -> memref<40x128xi32, #tpu.memory_space<hbm>>
      %dma_start3A_58 = arith.constant 0 : i32
      %dma_start3A_59 = arith.constant 0 : i32
      %dma_start3A_60 = tpu.memref_slice %arg4[%add3A, %run_scoped3A_24, %dma_start3A_58, %dma_start3A_59] : memref<32x2x40x128xi32, #tpu.memory_space<hbm>> -> memref<1x1x40x128xi32, #tpu.memory_space<hbm>>
      %dma_start3A_61 = tpu.memref_squeeze %dma_start3A_60 : memref<1x1x40x128xi32, #tpu.memory_space<hbm>> -> memref<40x128xi32, #tpu.memory_space<hbm>>
      tpu.enqueue_dma source(%dma_start3A_61 : memref<40x128xi32, #tpu.memory_space<hbm>>) target(%arg7 : memref<40x128xi32, #tpu.memory_space<vmem>>) target_semaphore(%run_scoped3A_53 : memref<!tpu.dma_semaphore, #tpu.memory_space<semaphore_mem>>)
      %dma_wait3A_62 = arith.constant 0 : i32
      %dma_wait3A_63 = arith.constant 0 : i32
      %dma_wait3A_64 = tpu.memref_slice %arg4[%add3A, %run_scoped3A_24, %dma_wait3A_62, %dma_wait3A_63] : memref<32x2x40x128xi32, #tpu.memory_space<hbm>> -> memref<1x1x40x128xi32, #tpu.memory_space<hbm>>
      %dma_wait3A_65 = tpu.memref_squeeze %dma_wait3A_64 : memref<1x1x40x128xi32, #tpu.memory_space<hbm>> -> memref<40x128xi32, #tpu.memory_space<hbm>>
      %dma_wait3A_66 = arith.constant 0 : i32
      %dma_wait3A_67 = arith.constant 0 : i32
      %dma_wait3A_68 = tpu.memref_slice %arg4[%add3A, %run_scoped3A_24, %dma_wait3A_66, %dma_wait3A_67] : memref<32x2x40x128xi32, #tpu.memory_space<hbm>> -> memref<1x1x40x128xi32, #tpu.memory_space<hbm>>
      %dma_wait3A_69 = tpu.memref_squeeze %dma_wait3A_68 : memref<1x1x40x128xi32, #tpu.memory_space<hbm>> -> memref<40x128xi32, #tpu.memory_space<hbm>>
      tpu.wait_dma2 semaphore(%run_scoped3A_53 : memref<!tpu.dma_semaphore, #tpu.memory_space<semaphore_mem>>) src(%dma_wait3A_69 : memref<40x128xi32, #tpu.memory_space<hbm>>) dst(%arg7 : memref<40x128xi32, #tpu.memory_space<vmem>>)
      tpu.yield
    }) : () -> ()
    %dma_start3A_25 = arith.constant 0 : i32
    %dma_start3A_26 = arith.constant 0 : i32
    %dma_start3A_27 = tpu.memref_slice %arg6[%dma_start3A_25, %dma_start3A_26] : memref<40x128xi32, #tpu.memory_space<vmem>> -> memref<1x128xi32, #tpu.memory_space<vmem>>
    %dma_start3A_28 = tpu.memref_squeeze %dma_start3A_27 : memref<1x128xi32, #tpu.memory_space<vmem>> -> memref<128xi32, #tpu.memory_space<vmem>>
    %dma_start3A_29 = arith.constant 0 : i32
    %dma_start3A_30 = arith.constant 0 : i32
    %dma_start3A_31 = tpu.memref_slice %arg2[%dma_start3A_29, %dma_start3A_30] : memref<10000x128xf32, #tpu.memory_space<hbm>> -> memref<10000x128xf32, #tpu.memory_space<hbm>>
    tpu.enqueue_indirect_dma source(%dma_start3A_31 : memref<10000x128xf32, #tpu.memory_space<hbm>>) target(%arg8 : memref<128x128xf32, #tpu.memory_space<vmem>>) offsets(%dma_start3A_28 : memref<128xi32, #tpu.memory_space<vmem>>) semaphore(%arg11 : memref<!tpu.dma_semaphore, #tpu.memory_space<semaphore_mem>>)
    %scan3A_32 = arith.constant 0 : i32
    %scan3A_33 = arith.constant 0 : i32
    %scan3A_34 = arith.constant 20 : i32
    %scan3A_35 = arith.addi %scan3A_33, %scan3A_34 : i32
    %scan3A_36 = arith.constant 1 : i32
    scf.for %scan3A_53 = %scan3A_33 to %scan3A_35 step %scan3A_36  : i32 {
      %mul3A_54 = arith.constant 2 : i32
      %mul3A_55 = arith.muli %mul3A_54, %scan3A_53 : i32
      %add3A_56 = arith.constant 1 : i32
      %add3A_57 = arith.addi %mul3A_55, %add3A_56 : i32
      %dma_wait3A_58 = arith.constant 0 : i32
      %dma_wait3A_59 = tpu.memref_slice %arg6[%mul3A_55, %dma_wait3A_58] : memref<40x128xi32, #tpu.memory_space<vmem>> -> memref<1x128xi32, #tpu.memory_space<vmem>>
      %dma_wait3A_60 = tpu.memref_squeeze %dma_wait3A_59 : memref<1x128xi32, #tpu.memory_space<vmem>> -> memref<128xi32, #tpu.memory_space<vmem>>
      %dma_wait3A_61 = arith.constant 0 : i32
      %dma_wait3A_62 = arith.constant 0 : i32
      %dma_wait3A_63 = tpu.memref_slice %arg2[%dma_wait3A_61, %dma_wait3A_62] : memref<10000x128xf32, #tpu.memory_space<hbm>> -> memref<10000x128xf32, #tpu.memory_space<hbm>>
      tpu.wait_indirect_dma semaphore(%arg11 : memref<!tpu.dma_semaphore, #tpu.memory_space<semaphore_mem>>) src(%dma_wait3A_63 : memref<10000x128xf32, #tpu.memory_space<hbm>>) dst(%arg8 : memref<128x128xf32, #tpu.memory_space<vmem>>)
      %gt3A = arith.constant 0 : i32
      %gt3A_64 = arith.cmpi sgt, %scan3A_53, %gt3A : i32
      %convert_element_type3A = arith.extui %gt3A_64 : i1 to i32
      %cond3A = arith.constant 0 : i32
      %cond3A_65 = arith.cmpi ne, %convert_element_type3A, %cond3A : i32
      scf.if %cond3A_65 {
        %sub3A = arith.constant 2 : i32
        %sub3A_102 = arith.subi %add3A_57, %sub3A : i32
        %dma_wait3A_103 = arith.constant 0 : i32
        %dma_wait3A_104 = tpu.memref_slice %arg7[%sub3A_102, %dma_wait3A_103] : memref<40x128xi32, #tpu.memory_space<vmem>> -> memref<1x128xi32, #tpu.memory_space<vmem>>
        %dma_wait3A_105 = tpu.memref_squeeze %dma_wait3A_104 : memref<1x128xi32, #tpu.memory_space<vmem>> -> memref<128xi32, #tpu.memory_space<vmem>>
        %dma_wait3A_106 = arith.constant 0 : i32
        %dma_wait3A_107 = arith.constant 0 : i32
        %dma_wait3A_108 = tpu.memref_slice %arg10[%dma_wait3A_106, %dma_wait3A_107] : memref<10008x128xf32, #tpu.memory_space<vmem_shared>> -> memref<10008x128xf32, #tpu.memory_space<vmem_shared>>
        tpu.wait_indirect_dma semaphore(%arg14 : memref<!tpu.dma_semaphore, #tpu.memory_space<semaphore_mem>>) src(%arg9 : memref<128x128xf32, #tpu.memory_space<vmem>>) dst(%dma_wait3A_108 : memref<10008x128xf32, #tpu.memory_space<vmem_shared>>)
      } else {
      }
      %dma_start3A_66 = arith.constant 0 : i32
      %dma_start3A_67 = tpu.memref_slice %arg6[%add3A_57, %dma_start3A_66] : memref<40x128xi32, #tpu.memory_space<vmem>> -> memref<1x128xi32, #tpu.memory_space<vmem>>
      %dma_start3A_68 = tpu.memref_squeeze %dma_start3A_67 : memref<1x128xi32, #tpu.memory_space<vmem>> -> memref<128xi32, #tpu.memory_space<vmem>>
      %dma_start3A_69 = arith.constant 0 : i32
      %dma_start3A_70 = arith.constant 0 : i32
      %dma_start3A_71 = tpu.memref_slice %arg2[%dma_start3A_69, %dma_start3A_70] : memref<10000x128xf32, #tpu.memory_space<hbm>> -> memref<10000x128xf32, #tpu.memory_space<hbm>>
      tpu.enqueue_indirect_dma source(%dma_start3A_71 : memref<10000x128xf32, #tpu.memory_space<hbm>>) target(%arg9 : memref<128x128xf32, #tpu.memory_space<vmem>>) offsets(%dma_start3A_68 : memref<128xi32, #tpu.memory_space<vmem>>) semaphore(%arg12 : memref<!tpu.dma_semaphore, #tpu.memory_space<semaphore_mem>>)
      %dma_start3A_72 = arith.constant 0 : i32
      %dma_start3A_73 = tpu.memref_slice %arg7[%mul3A_55, %dma_start3A_72] : memref<40x128xi32, #tpu.memory_space<vmem>> -> memref<1x128xi32, #tpu.memory_space<vmem>>
      %dma_start3A_74 = tpu.memref_squeeze %dma_start3A_73 : memref<1x128xi32, #tpu.memory_space<vmem>> -> memref<128xi32, #tpu.memory_space<vmem>>
      %dma_start3A_75 = arith.constant 0 : i32
      %dma_start3A_76 = arith.constant 0 : i32
      %dma_start3A_77 = tpu.memref_slice %arg10[%dma_start3A_75, %dma_start3A_76] : memref<10008x128xf32, #tpu.memory_space<vmem_shared>> -> memref<10008x128xf32, #tpu.memory_space<vmem_shared>>
      tpu.enqueue_indirect_dma source(%arg8 : memref<128x128xf32, #tpu.memory_space<vmem>>) target(%dma_start3A_77 : memref<10008x128xf32, #tpu.memory_space<vmem_shared>>) offsets(%dma_start3A_74 : memref<128xi32, #tpu.memory_space<vmem>>) semaphore(%arg13 : memref<!tpu.dma_semaphore, #tpu.memory_space<semaphore_mem>>) {add = true}
      %dma_wait3A_78 = arith.constant 0 : i32
      %dma_wait3A_79 = tpu.memref_slice %arg6[%add3A_57, %dma_wait3A_78] : memref<40x128xi32, #tpu.memory_space<vmem>> -> memref<1x128xi32, #tpu.memory_space<vmem>>
      %dma_wait3A_80 = tpu.memref_squeeze %dma_wait3A_79 : memref<1x128xi32, #tpu.memory_space<vmem>> -> memref<128xi32, #tpu.memory_space<vmem>>
      %dma_wait3A_81 = arith.constant 0 : i32
      %dma_wait3A_82 = arith.constant 0 : i32
      %dma_wait3A_83 = tpu.memref_slice %arg2[%dma_wait3A_81, %dma_wait3A_82] : memref<10000x128xf32, #tpu.memory_space<hbm>> -> memref<10000x128xf32, #tpu.memory_space<hbm>>
      tpu.wait_indirect_dma semaphore(%arg12 : memref<!tpu.dma_semaphore, #tpu.memory_space<semaphore_mem>>) src(%dma_wait3A_83 : memref<10000x128xf32, #tpu.memory_space<hbm>>) dst(%arg9 : memref<128x128xf32, #tpu.memory_space<vmem>>)
      %dma_wait3A_84 = arith.constant 0 : i32
      %dma_wait3A_85 = tpu.memref_slice %arg7[%mul3A_55, %dma_wait3A_84] : memref<40x128xi32, #tpu.memory_space<vmem>> -> memref<1x128xi32, #tpu.memory_space<vmem>>
      %dma_wait3A_86 = tpu.memref_squeeze %dma_wait3A_85 : memref<1x128xi32, #tpu.memory_space<vmem>> -> memref<128xi32, #tpu.memory_space<vmem>>
      %dma_wait3A_87 = arith.constant 0 : i32
      %dma_wait3A_88 = arith.constant 0 : i32
      %dma_wait3A_89 = tpu.memref_slice %arg10[%dma_wait3A_87, %dma_wait3A_88] : memref<10008x128xf32, #tpu.memory_space<vmem_shared>> -> memref<10008x128xf32, #tpu.memory_space<vmem_shared>>
      tpu.wait_indirect_dma semaphore(%arg13 : memref<!tpu.dma_semaphore, #tpu.memory_space<semaphore_mem>>) src(%arg8 : memref<128x128xf32, #tpu.memory_space<vmem>>) dst(%dma_wait3A_89 : memref<10008x128xf32, #tpu.memory_space<vmem_shared>>)
      %add3A_90 = arith.constant 2 : i32
      %add3A_91 = arith.addi %mul3A_55, %add3A_90 : i32
      %lt3A = arith.constant 40 : i32
      %lt3A_92 = arith.cmpi slt, %add3A_91, %lt3A : i32
      %convert_element_type3A_93 = arith.extui %lt3A_92 : i1 to i32
      %cond3A_94 = arith.constant 0 : i32
      %cond3A_95 = arith.cmpi ne, %convert_element_type3A_93, %cond3A_94 : i32
      scf.if %cond3A_95 {
        %add3A_102 = arith.constant 2 : i32
        %add3A_103 = arith.addi %mul3A_55, %add3A_102 : i32
        %dma_start3A_104 = arith.constant 0 : i32
        %dma_start3A_105 = tpu.memref_slice %arg6[%add3A_103, %dma_start3A_104] : memref<40x128xi32, #tpu.memory_space<vmem>> -> memref<1x128xi32, #tpu.memory_space<vmem>>
        %dma_start3A_106 = tpu.memref_squeeze %dma_start3A_105 : memref<1x128xi32, #tpu.memory_space<vmem>> -> memref<128xi32, #tpu.memory_space<vmem>>
        %dma_start3A_107 = arith.constant 0 : i32
        %dma_start3A_108 = arith.constant 0 : i32
        %dma_start3A_109 = tpu.memref_slice %arg2[%dma_start3A_107, %dma_start3A_108] : memref<10000x128xf32, #tpu.memory_space<hbm>> -> memref<10000x128xf32, #tpu.memory_space<hbm>>
        tpu.enqueue_indirect_dma source(%dma_start3A_109 : memref<10000x128xf32, #tpu.memory_space<hbm>>) target(%arg8 : memref<128x128xf32, #tpu.memory_space<vmem>>) offsets(%dma_start3A_106 : memref<128xi32, #tpu.memory_space<vmem>>) semaphore(%arg11 : memref<!tpu.dma_semaphore, #tpu.memory_space<semaphore_mem>>)
      } else {
      }
      %dma_start3A_96 = arith.constant 0 : i32
      %dma_start3A_97 = tpu.memref_slice %arg7[%add3A_57, %dma_start3A_96] : memref<40x128xi32, #tpu.memory_space<vmem>> -> memref<1x128xi32, #tpu.memory_space<vmem>>
      %dma_start3A_98 = tpu.memref_squeeze %dma_start3A_97 : memref<1x128xi32, #tpu.memory_space<vmem>> -> memref<128xi32, #tpu.memory_space<vmem>>
      %dma_start3A_99 = arith.constant 0 : i32
      %dma_start3A_100 = arith.constant 0 : i32
      %dma_start3A_101 = tpu.memref_slice %arg10[%dma_start3A_99, %dma_start3A_100] : memref<10008x128xf32, #tpu.memory_space<vmem_shared>> -> memref<10008x128xf32, #tpu.memory_space<vmem_shared>>
      tpu.enqueue_indirect_dma source(%arg9 : memref<128x128xf32, #tpu.memory_space<vmem>>) target(%dma_start3A_101 : memref<10008x128xf32, #tpu.memory_space<vmem_shared>>) offsets(%dma_start3A_98 : memref<128xi32, #tpu.memory_space<vmem>>) semaphore(%arg14 : memref<!tpu.dma_semaphore, #tpu.memory_space<semaphore_mem>>) {add = true}
    }
    %scan3A_37 = arith.constant 20 : i32
    %dma_wait3A_38 = arith.constant 39 : i32
    %dma_wait3A_39 = arith.constant 0 : i32
    %dma_wait3A_40 = tpu.memref_slice %arg7[%dma_wait3A_38, %dma_wait3A_39] : memref<40x128xi32, #tpu.memory_space<vmem>> -> memref<1x128xi32, #tpu.memory_space<vmem>>
    %dma_wait3A_41 = tpu.memref_squeeze %dma_wait3A_40 : memref<1x128xi32, #tpu.memory_space<vmem>> -> memref<128xi32, #tpu.memory_space<vmem>>
    %dma_wait3A_42 = arith.constant 0 : i32
    %dma_wait3A_43 = arith.constant 0 : i32
    %dma_wait3A_44 = tpu.memref_slice %arg10[%dma_wait3A_42, %dma_wait3A_43] : memref<10008x128xf32, #tpu.memory_space<vmem_shared>> -> memref<10008x128xf32, #tpu.memory_space<vmem_shared>>
    tpu.wait_indirect_dma semaphore(%arg14 : memref<!tpu.dma_semaphore, #tpu.memory_space<semaphore_mem>>) src(%arg9 : memref<128x128xf32, #tpu.memory_space<vmem>>) dst(%dma_wait3A_44 : memref<10008x128xf32, #tpu.memory_space<vmem_shared>>)
    %barrier3A_45 = arith.constant 0 : index
    tpu.barrier barrier_id(%barrier3A_45)
    %mul3A_46 = arith.constant 624 : i32
    %mul3A_47 = arith.muli %arg1, %mul3A_46 : i32
    %mul3A_48 = arith.constant 10000 : i32
    %mul3A_49 = arith.muli %arg0, %mul3A_48 : i32
    %mul3A_50 = arith.constant 624 : i32
    %mul3A_51 = arith.muli %arg1, %mul3A_50 : i32
    %add3A_52 = arith.addi %mul3A_49, %mul3A_51 : i32
    "tpu.region"() ({
      %run_scoped3A_53 = tpu.sem_alloc : memref<!tpu.dma_semaphore, #tpu.memory_space<semaphore_mem>>
      %dma_start3A_54 = arith.constant 0 : i32
      %dma_start3A_55 = tpu.memref_slice %arg5[%add3A_52, %dma_start3A_54] : memref<20000x128xf32, #tpu.memory_space<hbm>> -> memref<640x128xf32, #tpu.memory_space<hbm>>
      %dma_start3A_56 = arith.constant 0 : i32
      %dma_start3A_57 = tpu.memref_slice %arg10[%mul3A_47, %dma_start3A_56] : memref<10008x128xf32, #tpu.memory_space<vmem_shared>> -> memref<640x128xf32, #tpu.memory_space<vmem_shared>>
      tpu.enqueue_dma source(%dma_start3A_57 : memref<640x128xf32, #tpu.memory_space<vmem_shared>>) target(%dma_start3A_55 : memref<640x128xf32, #tpu.memory_space<hbm>>) target_semaphore(%run_scoped3A_53 : memref<!tpu.dma_semaphore, #tpu.memory_space<semaphore_mem>>)
      %dma_wait3A_58 = arith.constant 0 : i32
      %dma_wait3A_59 = tpu.memref_slice %arg5[%add3A_52, %dma_wait3A_58] : memref<20000x128xf32, #tpu.memory_space<hbm>> -> memref<640x128xf32, #tpu.memory_space<hbm>>
      %dma_wait3A_60 = arith.constant 0 : i32
      %dma_wait3A_61 = tpu.memref_slice %arg10[%mul3A_47, %dma_wait3A_60] : memref<10008x128xf32, #tpu.memory_space<vmem_shared>> -> memref<640x128xf32, #tpu.memory_space<vmem_shared>>
      tpu.wait_dma2 semaphore(%run_scoped3A_53 : memref<!tpu.dma_semaphore, #tpu.memory_space<semaphore_mem>>) src(%dma_wait3A_61 : memref<640x128xf32, #tpu.memory_space<vmem_shared>>) dst(%dma_wait3A_59 : memref<640x128xf32, #tpu.memory_space<hbm>>)
      tpu.yield
    }) : () -> ()
    return
  }
}

module attributes {stable_mosaic.version = 14 : i64} {
  func.func @_conv_body(%arg0: i32, %arg1: memref<2000x128xf32, #tpu.memory_space<vmem>>, %arg2: memref<2000x128xf32, #tpu.memory_space<vmem>>, %arg3: memref<2000x128xf32, #tpu.memory_space<vmem>>, %arg4: memref<128x128xf32, #tpu.memory_space<vmem>>, %arg5: memref<1x128xf32, #tpu.memory_space<vmem>>, %arg6: memref<2000x128xf32, #tpu.memory_space<vmem>>) attributes {dimension_semantics = [#tpu.dimension_semantics<arbitrary>], iteration_bounds = array<i64: 5>, scalar_prefetch = 0 : i64, scratch_operands = 0 : i64, tpu.core_type = #tpu.core_type<tc>, window_params = [{transform_indices = @transform_0, window_bounds = array<i64: 2000, 128>}, {transform_indices = @transform_1, window_bounds = array<i64: 2000, 128>}, {transform_indices = @transform_2, window_bounds = array<i64: 2000, 128>}, {pipeline_mode = #tpu.pipeline_mode<synchronous>, transform_indices = @transform_3, window_bounds = array<i64: 128, 128>}, {pipeline_mode = #tpu.pipeline_mode<synchronous>, transform_indices = @transform_4, window_bounds = array<i64: 1, 128>}, {transform_indices = @transform_5, window_bounds = array<i64: 2000, 128>}]} {
    %get3A = arith.constant 0 : index
    %get3A_0 = arith.constant 0 : index
    %get3A_1 = vector.load %arg1[%get3A, %get3A_0] : memref<2000x128xf32, #tpu.memory_space<vmem>>, vector<2000x128xf32>
    %get3A_2 = arith.constant 0 : index
    %get3A_3 = arith.constant 0 : index
    %get3A_4 = vector.load %arg2[%get3A_2, %get3A_3] : memref<2000x128xf32, #tpu.memory_space<vmem>>, vector<2000x128xf32>
    %add3A = arith.addf %get3A_1, %get3A_4 : vector<2000x128xf32>
    %get3A_5 = arith.constant 0 : index
    %get3A_6 = arith.constant 0 : index
    %get3A_7 = vector.load %arg3[%get3A_5, %get3A_6] : memref<2000x128xf32, #tpu.memory_space<vmem>>, vector<2000x128xf32>
    %sub3A = arith.subf %add3A, %get3A_7 : vector<2000x128xf32>
    %get3A_8 = arith.constant 0 : index
    %get3A_9 = arith.constant 0 : index
    %get3A_10 = vector.load %arg4[%get3A_8, %get3A_9] : memref<128x128xf32, #tpu.memory_space<vmem>>, vector<128x128xf32>
    %dot_general3A = arith.constant dense<0.000000e+00> : vector<2000x128xf32>
    %dot_general3A_11 = tpu.matmul %sub3A, %get3A_10, %dot_general3A {dimension_numbers = #tpu.dot_dimension_numbers<[1], [0], [0], [1], [0, 0, 1, 1], [], []>, transpose_lhs_hint = false} : vector<2000x128xf32>, vector<128x128xf32>, vector<2000x128xf32> -> vector<2000x128xf32>
    %get3A_12 = arith.constant 0 : index
    %get3A_13 = arith.constant 0 : index
    %get3A_14 = vector.load %arg5[%get3A_12, %get3A_13] : memref<1x128xf32, #tpu.memory_space<vmem>>, vector<1x128xf32>
    %add3A_15 = vector.broadcast %get3A_14 : vector<1x128xf32> to vector<2000x128xf32>
    %add3A_16 = arith.addf %dot_general3A_11, %add3A_15 : vector<2000x128xf32>
    %max3A = arith.constant 0.000000e+00 : f32
    %max3A_17 = vector.broadcast %max3A : f32 to vector<2000x128xf32>
    %max3A_18 = arith.maximumf %add3A_16, %max3A_17 : vector<2000x128xf32>
    %swap3A = arith.constant 0 : index
    %swap3A_19 = arith.constant 0 : index
    %swap3A_20 = vector.load %arg6[%swap3A, %swap3A_19] : memref<2000x128xf32, #tpu.memory_space<vmem>>, vector<2000x128xf32>
    tpu.vector_store %arg6[%swap3A, %swap3A_19], %max3A_18 {strides = array<i32>} : memref<2000x128xf32, #tpu.memory_space<vmem>>, vector<2000x128xf32>,
    return
  }
  func.func @transform_0(%arg0: i32) -> (i32, i32) {
    %c0_i32 = arith.constant 0 : i32
    %c0_i32_0 = arith.constant 0 : i32
    return %arg0, %c0_i32 : i32, i32
  }
  func.func @transform_1(%arg0: i32) -> (i32, i32) {
    %c0_i32 = arith.constant 0 : i32
    %c0_i32_0 = arith.constant 0 : i32
    return %arg0, %c0_i32 : i32, i32
  }
  func.func @transform_2(%arg0: i32) -> (i32, i32) {
    %c0_i32 = arith.constant 0 : i32
    %c0_i32_0 = arith.constant 0 : i32
    return %arg0, %c0_i32 : i32, i32
  }
  func.func @transform_3(%arg0: i32) -> (i32, i32) {
    %c0_i32 = arith.constant 0 : i32
    %c0_i32_0 = arith.constant 0 : i32
    %c0_i32_1 = arith.constant 0 : i32
    return %c0_i32, %c0_i32_0 : i32, i32
  }
  func.func @transform_4(%arg0: i32) -> (i32, i32) {
    %c0_i32 = arith.constant 0 : i32
    %c0_i32_0 = arith.constant 0 : i32
    %c0_i32_1 = arith.constant 0 : i32
    return %c0_i32, %c0_i32_0 : i32, i32
  }
  func.func @transform_5(%arg0: i32) -> (i32, i32) {
    %c0_i32 = arith.constant 0 : i32
    %c0_i32_0 = arith.constant 0 : i32
    return %arg0, %c0_i32 : i32, i32
  }
}

module attributes {stable_mosaic.version = 14 : i64} {
  func.func @_final_body(%arg0: memref<10000x128xf32, #tpu.memory_space<vmem>>, %arg1: memref<128x128xf32, #tpu.memory_space<vmem>>, %arg2: memref<1x128xf32, #tpu.memory_space<vmem>>, %arg3: memref<100x1xf32, #tpu.memory_space<vmem>>, %arg4: memref<100x128xf32, #tpu.memory_space<vmem>>) attributes {dimension_semantics = [], scalar_prefetch = 0 : i64, scratch_operands = 0 : i64, tpu.core_type = #tpu.core_type<tc>} {
    %get3A = arith.constant 0 : index
    %get3A_0 = arith.constant 0 : index
    %get3A_1 = vector.load %arg0[%get3A, %get3A_0] : memref<10000x128xf32, #tpu.memory_space<vmem>>, vector<10000x128xf32>
    %get3A_2 = arith.constant 0 : index
    %get3A_3 = arith.constant 0 : index
    %get3A_4 = vector.load %arg1[%get3A_2, %get3A_3] : memref<128x128xf32, #tpu.memory_space<vmem>>, vector<128x128xf32>
    %dot_general3A = arith.constant dense<0.000000e+00> : vector<10000x128xf32>
    %dot_general3A_5 = tpu.matmul %get3A_1, %get3A_4, %dot_general3A {dimension_numbers = #tpu.dot_dimension_numbers<[1], [0], [0], [1], [0, 0, 1, 1], [], []>, transpose_lhs_hint = false} : vector<10000x128xf32>, vector<128x128xf32>, vector<10000x128xf32> -> vector<10000x128xf32>
    %get3A_6 = arith.constant 0 : index
    %get3A_7 = arith.constant 0 : index
    %get3A_8 = vector.load %arg2[%get3A_6, %get3A_7] : memref<1x128xf32, #tpu.memory_space<vmem>>, vector<1x128xf32>
    %add3A = vector.broadcast %get3A_8 : vector<1x128xf32> to vector<10000x128xf32>
    %add3A_9 = arith.addf %dot_general3A_5, %add3A : vector<10000x128xf32>
    %logistic3A = arith.negf %add3A_9 : vector<10000x128xf32>
    %logistic3A_10 = math.exp %logistic3A : vector<10000x128xf32>
    %logistic3A_11 = arith.constant 1.000000e+00 : f32
    %logistic3A_12 = vector.broadcast %logistic3A_11 : f32 to vector<10000x128xf32>
    %logistic3A_13 = arith.addf %logistic3A_12, %logistic3A_10 : vector<10000x128xf32>
    %logistic3A_14 = arith.divf %logistic3A_12, %logistic3A_13 : vector<10000x128xf32>
    %reshape3A = vector.shape_cast %logistic3A_14 : vector<10000x128xf32> to vector<100x100x128xf32>
    %reduce_sum3A = arith.constant dense<0.000000e+00> : vector<100x128xf32>
    %reduce_sum3A_15 = vector.multi_reduction <add>, %reshape3A, %reduce_sum3A [1] : vector<100x100x128xf32> to vector<100x128xf32>
    %get3A_16 = arith.constant 0 : index
    %get3A_17 = arith.constant 0 : index
    %get3A_18 = vector.load %arg3[%get3A_16, %get3A_17] : memref<100x1xf32, #tpu.memory_space<vmem>>, vector<100x1xf32>
    %div3A = vector.broadcast %get3A_18 : vector<100x1xf32> to vector<100x128xf32>
    %div3A_19 = arith.divf %reduce_sum3A_15, %div3A : vector<100x128xf32>
    %swap3A = arith.constant 0 : index
    %swap3A_20 = arith.constant 0 : index
    %swap3A_21 = vector.load %arg4[%swap3A, %swap3A_20] : memref<100x128xf32, #tpu.memory_space<vmem>>, vector<100x128xf32>
    tpu.vector_store %arg4[%swap3A, %swap3A_20], %div3A_19 {strides = array<i32>} : memref<100x128xf32, #tpu.memory_space<vmem>>, vector<100x128xf32>,
    return
  }
}

</mosaic_0001>

<sc_bundles>
// kernel: kernel.10.cloned.1.call-start
scs
__scs_entry_jumppad:
0x0: {  	(pc) =	sbr.rel $0x88, $3  }
0x1: {  	(tag) =	ssettag $0x0;
	lr =	simm.s32 $0x1  }
0x2: {  	[smem:$0x3F98] =	sst lr;
	_ =	strace $0xD0000000  }
0x3: {  	_ = 	snop  }
0x4: {  	_ = 	snop  }
0x5: {  	_ = 	snop  }
0x6: {  	_ = 	snop  }
0x7: {  	_ = 	snop  }
__scs_overlays_trampoline_lowered:
0x8: {  	[smem:$0x3FA7] =	sst s0  }
0x9: {  	[smem:$0x3FA8] =	sst s1  }
0xa: {  	[smem:$0x3FA9] =	sst s2  }
0xb: {  	[smem:$0x3FAA] =	sst s3  }
0xc: {  	[smem:$0x3FAB] =	sst s4  }
0xd: {  	[smem:$0x3FAC] =	sst s5  }
0xe: {  	[smem:$0x3FAD] =	sst s6  }
0xf: {  	[smem:$0x3FAE] =	sst s7  }
0x10: {  	[smem:$0x3FAF] =	sst s8  }
0x11: {  	[smem:$0x3FB0] =	sst s9;
	s0 =	simm.s32 @!p0 $0x0  }
0x12: {  	s1 =	sld [smem:$0x3F96];
	s0 =	simm.s32 @p0 $0x1  }
0x13: {  	[smem:$0x3FB1] =	sst s0;
	s0 =	simm.s32 @!p1 $0x0  }
0x14: {  	s2 =	sld [smem:$0x3F95];
	s0 =	simm.s32 @p1 $0x1  }
0x15: {  	[smem:$0x3FB2] =	sst s0;
	s0 =	simm.s32 @!p2 $0x0  }
0x16: {  	s3 =	sld [smem:$0x3FDB];
	s0 =	simm.s32 @p2 $0x1  }
0x17: {  	s4 =	simm.s32 $0x1BF5;
	[smem:$0x3FB4] =	sst s0  }
0x18: {  	s0 =	sld [smem:$0x3F97];
	_ =	swait.ge [sflag:s4], $0x0  }
0x19: {  	s7 =	sld [smem:$0x3F98]  }
0x1a: {  	s8 =	sadd.s32 $0xFFFFE003, lr  }
0x1b: {  	s9 =	sadd.s32 $0xFFFFFEF7, lr;
	s5 =	simm.s32 $0xFFFFFFFF;
	p2 =	slt.u32 s8, $0xFFFFF086  }
0x1c: {  	p1 =	slt.u32 s9, $0xF7A;
	s5 =	simm.s32 @!p2 $0x0  }
0x1d: {  	s5 =	simm.s32 @p1 $0x1;
	p0 =	seq.s32 s7, s2  }
0x1e: {  	s7 =	smul.u32 @!p0 $0xF7A, s2;
	p2 =	seq.s32 @!p0 s5, $0x0  }
0x1f: {  	s9 =	smul.u32 $0xF7A, s1;
	s8 =	simm.s32 @!p0 $0x1BF5;
	p2 =	por !p2, p0  }
0x20: {  	[sflag:s8] =	ssyncset.s32 @!p0 $0xFFFFF086;
	s6 =	sadd.s32 @!p0 s3, s7;
	s7 =	simm.s32 @!p0 $0x108  }
0x21: {  	s3 =	sadd.s32 s3, s9;
	s6 =	sadd.s32 @!p0 $0x88, s6;
	s7 =	simm.s32 @p2 $0x1082  }
0x22: {  	[simem:s7], [sflag:s8] =	dma.local @!p0 [hbm:s6], $0xF7A  }
0x23: {  	s9 =	sor.u32 $0xD0000000, s2;
	s6 =	simm.s32 $0x108;
	_ =	swait.ge @!p0 [sflag:s8], $0x0  }
0x24: {  	s3 =	sadd.s32 $0x88, s3;
	s6 =	simm.s32 @!p1 $0x1082;
	[sflag:s4] =	ssyncset.s32 $0xFFFFF086  }
0x25: {  	[simem:s6], [sflag:s4] =	dma.local [hbm:s3], $0xF7A  }
0x26: {  	[smem:$0x3F98] =	sst s1;
	(tag) =	ssettag s2;
	_ =	strace s9  }
0x27: {  	s1 =	sld [smem:$0x3FA8]  }
0x28: {  	s2 =	sld [smem:$0x3FA9]  }
0x29: {  	s4 =	sld [smem:$0x3FAB]  }
0x2a: {  	p0 =	seq.s32 s5, $0x0;
	s5 =	sld [smem:$0x3FAC]  }
0x2b: {  	s6 =	sld [smem:$0x3FAD]  }
0x2c: {  	s7 =	sld [smem:$0x3FAE]  }
0x2d: {  	s3 =	simm.s32 $0x108;
	s8 =	sld [smem:$0x3FAF]  }
0x2e: {  	s3 =	simm.s32 @!p0 $0x1082;
	s9 =	sld [smem:$0x3FB0]  }
0x2f: {  	lr =	sadd.s32 s0, s3;
	s0 =	sld [smem:$0x3FA7]  }
0x30: {  	s3 =	sld [smem:$0x3FAA]  }
0x31: {  	[smem:$0x3FB3] =	sst s10  }
0x32: {  	s10 =	sld [smem:$0x3FB1];
	_ =	sdelay $0x3  }
0x33: {  	p0 =	seq.s32 s10, $0x1;
	s10 =	sld [smem:$0x3FB3];
	_ =	sdelay $0x3  }
0x34: {  	[smem:$0x3FB3] =	sst s10  }
0x35: {  	s10 =	sld [smem:$0x3FB2];
	_ =	sdelay $0x3  }
0x36: {  	p1 =	seq.s32 s10, $0x1;
	s10 =	sld [smem:$0x3FB3];
	_ =	sdelay $0x3  }
0x37: {  	[smem:$0x3FB3] =	sst s10  }
0x38: {  	s10 =	sld [smem:$0x3FB4]  }
0x39: {  	_ = 	snop;
	(pc) =	sbr.ind lr, $3  }
0x3a: {  	_ = 	snop  }
0x3b: {  	_ = 	snop  }
0x3c: {  	p2 =	seq.s32 s10, $0x1;
	s10 =	sld [smem:$0x3FB3]  }
0x3d: {  	_ =	shalt  }
0x3e: {  	_ =	shalt  }
0x3f: {  	_ =	shalt  }
0x40: {  	_ =	shalt  }
0x41: {  	_ =	shalt  }
0x42: {  	_ =	shalt  }
0x43: {  	_ =	shalt  }
0x44: {  	_ =	shalt  }
0x45: {  	_ =	shalt  }
0x46: {  	_ =	shalt  }
0x47: {  	_ =	shalt  }
0x48: {  	_ =	shalt  }
0x49: {  	_ =	shalt  }
0x4a: {  	_ =	shalt  }
0x4b: {  	_ =	shalt  }
0x4c: {  	_ =	shalt  }
0x4d: {  	_ =	shalt  }
0x4e: {  	_ =	shalt  }
0x4f: {  	_ =	shalt  }
0x50: {  	_ =	shalt  }
0x51: {  	_ =	shalt  }
0x52: {  	_ =	shalt  }
0x53: {  	_ =	shalt  }
0x54: {  	_ =	shalt  }
0x55: {  	_ =	shalt  }
0x56: {  	_ =	shalt  }
0x57: {  	_ =	shalt  }
0x58: {  	_ =	shalt  }
0x59: {  	_ =	shalt  }
0x5a: {  	_ =	shalt  }
0x5b: {  	_ =	shalt  }
0x5c: {  	_ =	shalt  }
0x5d: {  	_ =	shalt  }
0x5e: {  	_ =	shalt  }
0x5f: {  	_ =	shalt  }
0x60: {  	_ =	shalt  }
0x61: {  	_ =	shalt  }
0x62: {  	_ =	shalt  }
0x63: {  	_ =	shalt  }
0x64: {  	_ =	shalt  }
0x65: {  	_ =	shalt  }
0x66: {  	_ =	shalt  }
0x67: {  	_ =	shalt  }
0x68: {  	_ =	shalt  }
0x69: {  	_ =	shalt  }
0x6a: {  	_ =	shalt  }
0x6b: {  	_ =	shalt  }
0x6c: {  	_ =	shalt  }
0x6d: {  	_ =	shalt  }
0x6e: {  	_ =	shalt  }
0x6f: {  	_ =	shalt  }
0x70: {  	_ =	shalt  }
0x71: {  	_ =	shalt  }
0x72: {  	_ =	shalt  }
0x73: {  	_ =	shalt  }
0x74: {  	_ =	shalt  }
0x75: {  	_ =	shalt  }
0x76: {  	_ =	shalt  }
0x77: {  	_ =	shalt  }
0x78: {  	_ =	shalt  }
0x79: {  	_ =	shalt  }
0x7a: {  	_ =	shalt  }
0x7b: {  	_ =	shalt  }
0x7c: {  	_ =	shalt  }
0x7d: {  	_ =	shalt  }
0x7e: {  	_ =	shalt  }
0x7f: {  	_ =	shalt  }
0x80: {  	_ =	shalt  }
0x81: {  	_ =	shalt  }
0x82: {  	_ =	shalt  }
0x83: {  	_ =	shalt  }
0x84: {  	_ =	shalt  }
0x85: {  	_ =	shalt  }
0x86: {  	_ =	shalt  }
0x87: {  	_ =	shalt  }
.Lfunc_end0:
.L_simem_size_0:
called_computation.1_lowered:
.L_overlay_start_0:
0x88: {  	s2 =	sld [smem:$0x3FD9]  }
0x89: {  	s3 =	sld [smem:$0x3FFE];
	_ =	sdelay $0x1  }
0x8a: {  	s1 =	srdreg.scid  }
0x8b: {  	s0 =	sand.u32 $0x1, s1  }
0x8c: {  	s16 =	sshll.u32 s0, $0xA;
	s2 =	sadd.s32 s3, s2  }
0x8d: {  	s2 =	sadd.s32 s2, s16  }
0x8e: {  	[smem:$0x3FBF] =	sst s2  }
0x8f: {  	_ = 	snop  }
0x90: {  	(tm) =	ssettm $0x1  }
0x91: {  	s17 =	sld [smem:$0x3FFB];
	_ =	sdelay $0x3  }
0x92: {  	_ =	strace s17  }
0x93: {  	s2 =	sld [smem:$0x3FFC];
	_ =	sdelay $0x3  }
0x94: {  	_ =	strace s2  }
0x95: {  	s2 =	sld [smem:$0x3FFD];
	_ =	sdelay $0x3  }
0x96: {  	_ =	strace s2  }
0x97: {  	_ =	strace $0x8FFFFFFF  }
0x98: {  	s18 =	sld [smem:$0x3FDB];
	_ =	sdelay $0x1  }
0x99: {  	s19 =	simm.s32 $_scs_section_size  }
0x9a: {  	s4 =	simm.s32 $_size__tile_overlayer_lowered;
	s5 =	simm.s32 $_tile_overlayer_lowered  }
0x9b: {  	s22 =	simm.s32 $0x1BFF;
	s21 =	sshll.u32 s5, $0x1;
	s2 =	sadd.s32 s19, s18  }
0x9c: {  	s6 =	simm.s32 $0x0;
	s20 =	sshll.u32 s4, $0x1;
	s4 =	sadd.s32 s21, s2  }
0x9d: {  	[timem:s6], [sflag:s22] =	dma.local [hbm:s4], s20  }
0x9e: {  	_ =	swait.ge [sflag:s22], s20  }
0x9f: {  	s3 =	ssub.s32 $0x0, s20;
	[sflag:s22] =	ssyncset.done $0x0  }
0xa0: {  	[sflag:s22] =	ssyncadd.s32 s3;
	_ =	sdelay $0x1  }
0xa1: {  	s23 =	simm.s32 $0x1B8B  }
0xa2: {  	_ =	swait.ge [sflag:s23], $0x1  }
0xa3: {  	[sflag:s23] =	ssyncset.done $0x0  }
0xa4: {  	s25 =	simm.s32 $0x1B8E;
	s24 =	sld [smem:$0x3FFE];
	[sflag:s23] =	ssyncadd.s32 $0xFFFFFFFF  }
0xa5: {  	s26 =	simm.s32 $execute0_lowered;
	[smem:$0x3FD2] =	sst s25  }
0xa6: {  	s4 =	sshll.u32 s26, $0x1;
	_ =	strace $0x80000049;
	[dreg:$0x1] =	wrdreg $0xFFFFFFFF  }
0xa7: {  	s28 =	simm.s32 $_size_execute0_lowered;
	s2 =	sadd.s32 s2, s4;
	[dreg:$0x0] =	wrdreg $0x0  }
0xa8: {  	s4 =	sshll.u32 s28, $0x1;
	[dreg:$0x2] =	wrdreg s2  }
0xa9: {  	[dreg:$0x3] =	wrdreg s4  }
0xaa: {  	[dreg:$0x4] =	wrdreg $0xC0  }
0xab: {  	_ =	task [dreg:s6], $0x5FFFF  }
0xac: {  	[dreg:$0x1] =	wrdreg $0xFFFFFFFF  }
0xad: {  	[dreg:$0x0] =	wrdreg $0x60  }
0xae: {  	[dreg:$0x2] =	wrdreg s24  }
0xaf: {  	[dreg:$0x3] =	wrdreg $0xA8000  }
0xb0: {  	[dreg:$0x4] =	wrdreg $0x9  }
0xb1: {  	_ =	task.clear_ibuf [dreg:s6], $0x5FFFF;
	_ =	strace $0x90000049  }
0xb2: {  	s29 =	simm.s32 $0x9;
	_ =	strace $0x8000004B  }
0xb3: {  	_ =	swait.ge [sflag:s29], $0x1  }
0xb4: {  	[sflag:s29] =	ssyncadd.s32 $0xFFFFFFFF  }
0xb5: {  	_ =	strace $0x9000004B  }
0xb6: {  	_ =	sfence  }
0xb7: {  	s30 =	sld [smem:$0x0];
	_ =	sdelay $0x2  }
0xb8: {  	s31 =	sshll.u32 s1, $0xD;
	s1 =	sshrl.u32 s1, $0x2  }
0xb9: {  	s3 =	sand.u32 $0x4000, s31;
	s1 =	sadd.s32 s1, s30  }
0xba: {  	s0 =	sor.u32 s3, s0;
	s1 =	sshll.u32 s1, $0x11  }
0xbb: {  	s0 =	sor.u32 s1, s0  }
0xbc: {  	s0 =	sadd.s32 $0x8F2B, s0  }
0xbd: {  	[sflag:s0] =	ssyncadd.remote.s32 $0x1  }
0xbe: {  	_ =	sfence.sel $0xFFFF  }
0xbf: {  	[dreg:$0x0] =	wrdreg $0xFFFFFFFF;
	(pc) =	sbr.abs _section_cstart, $3  }
0xc0: {  	[dreg:$0x1] =	wrdreg $0xFFFFFFFF  }
0xc1: {  	_ =	task.clear_ibuf [dreg:s6], $0x2FFFF;
	_ =	strace $0x9FFFFFFF  }
0xc2: {  	(tm) =	ssettm $0x7FFFFFFF  }
0xc3: {  	_ =	shalt  }
tec
execute0_lowered:
.L_overlay_start_1:
0x0: {  	(tag) =	ssettag $0x1  }
0x1: {  	s5 =	rddreg [dreg:$0x0]  }
0x2: {  	s1 =	rddreg [dreg:$0x1]  }
0x3: {  	s0 =	rddreg [dreg:$0x2];
	s3 =	simm.s32 $0x0;
	s4 =	srdreg.scid  }
0x4: {  	s2 =	stileid.u32;
	s15 =	simm.s32 $0x1400;
	s16 =	simm.s32 $0x80  }
0x5: {  	s17 =	simm.s32 $0x2800;
	s18 =	simm.s32 $0x1;
	s19 =	simm.s32 $0x6800  }
0x6: {  	s20 =	simm.s32 $0x2;
	s21 =	simm.s32 $0x3;
	s22 =	simm.s32 $0x100  }
0x7: {  	s23 =	simm.s32 $0x1480;
	s24 =	simm.s32 $0x4;
	s25 =	simm.s32 $0x0  }
0x8: {  	[smem:$0x7FF] =	sst s3;
	s6 =	sand.u32 $0x1, s4;
	s7 =	smul.u32 $0x2700, s2  }
0x9: {  	s4 =	sadd.s32 $0x15E00, s5;
	s9 =	sadd.s32 $0x1E00, s5;
	s10 =	sadd.s32 $0xBE00, s5  }
0xa: {  	s11 =	smul.u32 $0x4E000, s2;
	s12 =	sshll.u32 s2, $0x1;
	s29 =	sshll.u32 s2, $0x6  }
0xb: {  	_ =	strace $0x8000004A;
	s8 =	smul.u32 $0x27100, s6;
	s13 =	ssub.s32 $0x2, s6  }
0xc: {  	s6 =	sor.u32 s6, s12;
	s26 =	sshrl.u32 s13, $0x1;
	s11 =	sshrl.u32 s11, $0x2  }
0xd: {  	s6 =	smul.u32 $0x2800, s6;
	s8 =	sadd.s32 s7, s8;
	s12 =	ssub.s32 s13, s26  }
.Ltmp0:
0xe: {  	s28 =	sadd.s32 s11, s1;
	s14 =	sadd.s32 s8, s5;
	(pc) =	sbr.rel .LBB2_1-.Ltmp0, $4  }
0xf: {  	s5 =	sadd.s32 s4, s7;
	s30 =	sshrl.u32 s6, $0x3;
	s6 =	sor.u32 $0x1C05, s29  }
0x10: {  	s12 =	smax.u32 s12, $0x1;
	s13 =	sshrl.u32 s28, $0x3;
	s7 =	sadd.s32 s9, s30  }
0x11: {  	s31 =	sadd.s32 $0x280, s30;
	s8 =	sadd.s32 s10, s30;
	s11 =	sadd.s32 $0x3D000, s14  }
0x12: {  	s14 =	simm.s32 $0x5;
	s9 =	sadd.s32 s9, s31;
	s10 =	sadd.s32 s10, s31  }
.LBB2_7:
0x13: {  	[spmem:s1] =	stream.indirect.scatter.add.f32 [tilespmem:s19], [sflag:$0x4], $0x80, s29, s16, $0xb8;
	[tilespmem:$0x1E0C0] =	vst v63  }
0x14: {  	_ =	swait.ge [sflag:s24], $0x4000  }
0x15: {  	s25 =	sadd.s32 $0x1, s25;
	[sflag:s24] =	ssyncset.done $0x0  }
0x16: {  	p0 =	sne.s32 s25, s12;
	[sflag:s24] =	ssyncadd.s32 $0xFFFFC000  }
.Ltmp1:
0x17: {  	[bflag:$0x0] =	sbarrier.arrive $0xFFFF;
	(pc) =	sbr.rel @!p0 .LBB2_8-.Ltmp1, $4  }
0x18: {  	[hbm:s11], [sflag:s6] =	dma.local [spmem:s13], $0x2800  }
0x19: {  	_ =	swait.ge [sflag:s14], $0x2800  }
0x1a: {  	[sflag:s14] =	ssyncset.done $0x0  }
0x1b: {  	[sflag:s14] =	ssyncadd.s32 $0xFFFFD800  }
.LBB2_1:
0x1c: {  	[spmem:s13], [sflag:s6] =	dma.local [hbm:s5], $0x2800  }
0x1d: {  	_ =	swait.ge [sflag:s14], $0x2800  }
0x1e: {  	[sflag:s14] =	ssyncset.done $0x0  }
0x1f: {  	[sflag:s14] =	ssyncadd.s32 $0xFFFFD800  }
0x20: {  	[bflag:$0x0] =	sbarrier.arrive $0xFFFF  }
0x21: {  	[tilespmem:s3], [sflag:$0x5] =	stream.linear.gather [hbm4b:s7+s3], $0x1400, $0x38;
	[tilespmem:$0x1E0C0] =	vst v63  }
0x22: {  	_ =	swait.ge [sflag:s14], $0x1400  }
0x23: {  	[sflag:s14] =	ssyncset.done $0x0  }
0x24: {  	[sflag:s14] =	ssyncadd.s32 $0xFFFFEC00  }
0x25: {  	[tilespmem:s15], [sflag:$0x5] =	stream.linear.gather [hbm4b:s8+s3], $0x1400, $0x38;
	[tilespmem:$0x1E0C0] =	vst v63  }
0x26: {  	_ =	swait.ge [sflag:s14], $0x1400  }
0x27: {  	[sflag:s14] =	ssyncset.done $0x0  }
0x28: {  	[sflag:s14] =	ssyncadd.s32 $0xFFFFEC00  }
0x29: {  	[tilespmem:s17], [sflag:$0x1] =	stream.indirect.gather [hbm4b:s4+s16], $0x80, s3, s16, $0xb8;
	[tilespmem:$0x1E0C0] =	vst v63  }
0x2a: {  	_ =	swait.ge [sflag:s18], $0x4000  }
0x2b: {  	[sflag:s18] =	ssyncset.done $0x0  }
0x2c: {  	[sflag:s18] =	ssyncadd.s32 $0xFFFFC000  }
0x2d: {  	[tilespmem:s19], [sflag:$0x2] =	stream.indirect.gather [hbm4b:s4+s16], $0x80, s16, s16, $0xb8;
	[tilespmem:$0x1E0C0] =	vst v63  }
0x2e: {  	_ = 	snop  }
0x2f: {  	[spmem:s1] =	stream.indirect.scatter.add.f32 [tilespmem:s17], [sflag:$0x3], $0x80, s15, s16, $0xb8;
	[tilespmem:$0x1E0C0] =	vst v63  }
0x30: {  	_ =	swait.ge [sflag:s20], $0x4000  }
0x31: {  	[sflag:s20] =	ssyncset.done $0x0  }
0x32: {  	[sflag:s20] =	ssyncadd.s32 $0xFFFFC000  }
0x33: {  	_ =	swait.ge [sflag:s21], $0x4000  }
0x34: {  	[sflag:s21] =	ssyncset.done $0x0  }
0x35: {  	[sflag:s21] =	ssyncadd.s32 $0xFFFFC000  }
0x36: {  	[tilespmem:s17], [sflag:$0x1] =	stream.indirect.gather [hbm4b:s4+s16], $0x80, s22, s16, $0xb8;
	[tilespmem:$0x1E0C0] =	vst v63  }
0x37: {  	s26 =	simm.s32 $0xFFFFB800  }
0x38: {  	[spmem:s1] =	stream.indirect.scatter.add.f32 [tilespmem:s19], [sflag:$0x4], $0x80, s23, s16, $0xb8;
	[tilespmem:$0x1E0C0] =	vst v63  }
.LBB2_2:
0x39: {  	_ =	swait.ge [sflag:s18], $0x4000  }
0x3a: {  	[sflag:s18] =	ssyncset.done $0x0  }
0x3b: {  	[sflag:s18] =	ssyncadd.s32 $0xFFFFC000  }
0x3c: {  	_ =	swait.ge [sflag:s24], $0x4000  }
0x3d: {  	s28 =	sshra.s32 s26, $0x2;
	[sflag:s24] =	ssyncset.done $0x0  }
0x3e: {  	s29 =	sadd.s32 $0x1380, s28;
	[sflag:s24] =	ssyncadd.s32 $0xFFFFC000  }
0x3f: {  	[tilespmem:s19], [sflag:$0x2] =	stream.indirect.gather [hbm4b:s4+s16], $0x80, s29, s16, $0xb8;
	[tilespmem:$0x1E0C0] =	vst v63  }
0x40: {  	s29 =	sadd.s32 $0x2700, s28  }
0x41: {  	[spmem:s1] =	stream.indirect.scatter.add.f32 [tilespmem:s17], [sflag:$0x3], $0x80, s29, s16, $0xb8;
	[tilespmem:$0x1E0C0] =	vst v63  }
0x42: {  	p0 =	seq.s32 s26, $0x0;
	_ =	swait.ge [sflag:s20], $0x4000  }
.Ltmp2:
0x43: {  	[sflag:s20] =	ssyncset.done $0x0;
	(pc) =	sbr.rel @p0 .LBB2_4-.Ltmp2, $4  }
0x44: {  	[sflag:s20] =	ssyncadd.s32 $0xFFFFC000  }
0x45: {  	_ =	swait.ge [sflag:s21], $0x4000  }
0x46: {  	[sflag:s21] =	ssyncset.done $0x0  }
0x47: {  	s29 =	sadd.s32 $0x2780, s28;
	[sflag:s21] =	ssyncadd.s32 $0xFFFFC000  }
.Ltmp3:
0x48: {  	(pc) =	sbr.rel .LBB2_2-.Ltmp3, $4  }
0x49: {  	s28 =	sadd.s32 $0x1400, s28  }
0x4a: {  	[tilespmem:s17], [sflag:$0x1] =	stream.indirect.gather [hbm4b:s4+s16], $0x80, s28, s16, $0xb8;
	[tilespmem:$0x1E0C0] =	vst v63  }
0x4b: {  	s26 =	sadd.s32 $0x400, s26  }
0x4c: {  	[spmem:s1] =	stream.indirect.scatter.add.f32 [tilespmem:s19], [sflag:$0x4], $0x80, s29, s16, $0xb8;
	[tilespmem:$0x1E0C0] =	vst v63  }
.LBB2_4:
0x4d: {  	[spmem:s1] =	stream.indirect.scatter.add.f32 [tilespmem:s19], [sflag:$0x4], $0x80, s29, s16, $0xb8;
	[tilespmem:$0x1E0C0] =	vst v63  }
0x4e: {  	_ =	swait.ge [sflag:s24], $0x4000  }
0x4f: {  	[sflag:s24] =	ssyncset.done $0x0  }
0x50: {  	[sflag:s24] =	ssyncadd.s32 $0xFFFFC000  }
0x51: {  	[tilespmem:s3], [sflag:$0x5] =	stream.linear.gather [hbm4b:s9+s3], $0x1400, $0x38;
	[tilespmem:$0x1E0C0] =	vst v63  }
0x52: {  	_ =	swait.ge [sflag:s14], $0x1400  }
0x53: {  	[sflag:s14] =	ssyncset.done $0x0  }
0x54: {  	[sflag:s14] =	ssyncadd.s32 $0xFFFFEC00  }
0x55: {  	[tilespmem:s15], [sflag:$0x5] =	stream.linear.gather [hbm4b:s10+s3], $0x1400, $0x38;
	[tilespmem:$0x1E0C0] =	vst v63  }
0x56: {  	_ =	swait.ge [sflag:s14], $0x1400  }
0x57: {  	[sflag:s14] =	ssyncset.done $0x0  }
0x58: {  	[sflag:s14] =	ssyncadd.s32 $0xFFFFEC00  }
0x59: {  	[tilespmem:s17], [sflag:$0x1] =	stream.indirect.gather [hbm4b:s4+s16], $0x80, s3, s16, $0xb8;
	[tilespmem:$0x1E0C0] =	vst v63  }
0x5a: {  	_ =	swait.ge [sflag:s18], $0x4000  }
0x5b: {  	[sflag:s18] =	ssyncset.done $0x0  }
0x5c: {  	[sflag:s18] =	ssyncadd.s32 $0xFFFFC000  }
0x5d: {  	[tilespmem:s19], [sflag:$0x2] =	stream.indirect.gather [hbm4b:s4+s16], $0x80, s16, s16, $0xb8;
	[tilespmem:$0x1E0C0] =	vst v63  }
0x5e: {  	_ = 	snop  }
0x5f: {  	[spmem:s1] =	stream.indirect.scatter.add.f32 [tilespmem:s17], [sflag:$0x3], $0x80, s15, s16, $0xb8;
	[tilespmem:$0x1E0C0] =	vst v63  }
0x60: {  	_ =	swait.ge [sflag:s20], $0x4000  }
0x61: {  	[sflag:s20] =	ssyncset.done $0x0  }
0x62: {  	[sflag:s20] =	ssyncadd.s32 $0xFFFFC000  }
0x63: {  	_ =	swait.ge [sflag:s21], $0x4000  }
0x64: {  	[sflag:s21] =	ssyncset.done $0x0  }
0x65: {  	[sflag:s21] =	ssyncadd.s32 $0xFFFFC000  }
0x66: {  	[tilespmem:s17], [sflag:$0x1] =	stream.indirect.gather [hbm4b:s4+s16], $0x80, s22, s16, $0xb8;
	[tilespmem:$0x1E0C0] =	vst v63  }
0x67: {  	s26 =	simm.s32 $0xFFFFB800  }
0x68: {  	[spmem:s1] =	stream.indirect.scatter.add.f32 [tilespmem:s19], [sflag:$0x4], $0x80, s23, s16, $0xb8;
	[tilespmem:$0x1E0C0] =	vst v63  }
.LBB2_5:
0x69: {  	_ =	swait.ge [sflag:s18], $0x4000  }
0x6a: {  	[sflag:s18] =	ssyncset.done $0x0  }
0x6b: {  	[sflag:s18] =	ssyncadd.s32 $0xFFFFC000  }
0x6c: {  	_ =	swait.ge [sflag:s24], $0x4000  }
0x6d: {  	s28 =	sshra.s32 s26, $0x2;
	[sflag:s24] =	ssyncset.done $0x0  }
0x6e: {  	s29 =	sadd.s32 $0x1380, s28;
	[sflag:s24] =	ssyncadd.s32 $0xFFFFC000  }
0x6f: {  	[tilespmem:s19], [sflag:$0x2] =	stream.indirect.gather [hbm4b:s4+s16], $0x80, s29, s16, $0xb8;
	[tilespmem:$0x1E0C0] =	vst v63  }
0x70: {  	s29 =	sadd.s32 $0x2700, s28  }
0x71: {  	[spmem:s1] =	stream.indirect.scatter.add.f32 [tilespmem:s17], [sflag:$0x3], $0x80, s29, s16, $0xb8;
	[tilespmem:$0x1E0C0] =	vst v63  }
0x72: {  	p0 =	seq.s32 s26, $0x0;
	_ =	swait.ge [sflag:s20], $0x4000  }
.Ltmp4:
0x73: {  	[sflag:s20] =	ssyncset.done $0x0;
	(pc) =	sbr.rel @p0 .LBB2_7-.Ltmp4, $4  }
0x74: {  	[sflag:s20] =	ssyncadd.s32 $0xFFFFC000  }
0x75: {  	_ =	swait.ge [sflag:s21], $0x4000  }
0x76: {  	[sflag:s21] =	ssyncset.done $0x0  }
0x77: {  	s29 =	sadd.s32 $0x2780, s28;
	[sflag:s21] =	ssyncadd.s32 $0xFFFFC000  }
.Ltmp5:
0x78: {  	(pc) =	sbr.rel .LBB2_5-.Ltmp5, $4  }
0x79: {  	s28 =	sadd.s32 $0x1400, s28  }
0x7a: {  	[tilespmem:s17], [sflag:$0x1] =	stream.indirect.gather [hbm4b:s4+s16], $0x80, s28, s16, $0xb8;
	[tilespmem:$0x1E0C0] =	vst v63  }
0x7b: {  	s26 =	sadd.s32 $0x400, s26  }
0x7c: {  	[spmem:s1] =	stream.indirect.scatter.add.f32 [tilespmem:s19], [sflag:$0x4], $0x80, s29, s16, $0xb8;
	[tilespmem:$0x1E0C0] =	vst v63  }
.LBB2_8:
0x7d: {  	_ =	sfence.sel $0x180000  }
0x7e: {  	[bflag:$0x0] =	sbarrier.arrive $0xFFFF  }
0x7f: {  	p0 =	sne.s32 s2, $0x0;
	_ =	strace $0x9000004A  }
0x80: {  	s0 =	sadd.s32 @!p0 $0x100000, s0;
	[bflag:$0x2] =	sbarrier.arrive $0xFFFF  }
0x81: {  	[sflag:s0] =	ssyncadd.tile.s32 @!p0 $0x1;
	_ =	shalt  }
.Lfunc_end2:
_tile_overlayer_lowered:
.L_overlay_start_2:
0x82: {  	(tag) =	ssettag $0x2  }
0x83: {  	s0 =	rddreg [dreg:$0x0];
	s2 =	stileid.u32  }
0x84: {  	s1 =	rddreg [dreg:$0x1];
	p0 =	sne.s32 s2, $0x0  }
0x85: {  	s3 =	rddreg [dreg:$0x2];
	[bflag:$0x3] =	sbarrier.arrive $0xFFFF;
	s2 =	simm.s32 @!p0 $0x1C05  }
0x86: {  	[timem:s3], [sflag:s2] =	dma.local @!p0 [hbm:s0], s1  }
0x87: {  	s0 =	simm.s32 @!p0 $0x5  }
0x88: {  	_ =	swait.ge @!p0 [sflag:s0], s1  }
0x89: {  	s1 =	ssub.s32 @!p0 $0x0, s1;
	[sflag:s0] =	ssyncset.done @!p0 $0x0  }
0x8a: {  	[sflag:s0] =	ssyncadd.s32 @!p0 s1  }
0x8b: {  	[bflag:$0x3] =	sbarrier.arrive $0xFFFF  }
0x8c: {  	_ =	shalt  }

// kernel: kernel.7.cloned.1.call-start
scs
__scs_entry_jumppad:
0x0: {  	(pc) =	sbr.rel $0x88, $3  }
0x1: {  	(tag) =	ssettag $0x0;
	lr =	simm.s32 $0x1  }
0x2: {  	[smem:$0x3F98] =	sst lr;
	_ =	strace $0xD0000000  }
0x3: {  	_ = 	snop  }
0x4: {  	_ = 	snop  }
0x5: {  	_ = 	snop  }
0x6: {  	_ = 	snop  }
0x7: {  	_ = 	snop  }
__scs_overlays_trampoline_lowered:
0x8: {  	[smem:$0x3FA7] =	sst s0  }
0x9: {  	[smem:$0x3FA8] =	sst s1  }
0xa: {  	[smem:$0x3FA9] =	sst s2  }
0xb: {  	[smem:$0x3FAA] =	sst s3  }
0xc: {  	[smem:$0x3FAB] =	sst s4  }
0xd: {  	[smem:$0x3FAC] =	sst s5  }
0xe: {  	[smem:$0x3FAD] =	sst s6  }
0xf: {  	[smem:$0x3FAE] =	sst s7  }
0x10: {  	[smem:$0x3FAF] =	sst s8  }
0x11: {  	[smem:$0x3FB0] =	sst s9;
	s0 =	simm.s32 @!p0 $0x0  }
0x12: {  	s1 =	sld [smem:$0x3F96];
	s0 =	simm.s32 @p0 $0x1  }
0x13: {  	[smem:$0x3FB1] =	sst s0;
	s0 =	simm.s32 @!p1 $0x0  }
0x14: {  	s2 =	sld [smem:$0x3F95];
	s0 =	simm.s32 @p1 $0x1  }
0x15: {  	[smem:$0x3FB2] =	sst s0;
	s0 =	simm.s32 @!p2 $0x0  }
0x16: {  	s3 =	sld [smem:$0x3FDB];
	s0 =	simm.s32 @p2 $0x1  }
0x17: {  	s4 =	simm.s32 $0x1BF5;
	[smem:$0x3FB4] =	sst s0  }
0x18: {  	s0 =	sld [smem:$0x3F97];
	_ =	swait.ge [sflag:s4], $0x0  }
0x19: {  	s7 =	sld [smem:$0x3F98]  }
0x1a: {  	s8 =	sadd.s32 $0xFFFFE003, lr  }
0x1b: {  	s9 =	sadd.s32 $0xFFFFFEF7, lr;
	s5 =	simm.s32 $0xFFFFFFFF;
	p2 =	slt.u32 s8, $0xFFFFF086  }
0x1c: {  	p1 =	slt.u32 s9, $0xF7A;
	s5 =	simm.s32 @!p2 $0x0  }
0x1d: {  	s5 =	simm.s32 @p1 $0x1;
	p0 =	seq.s32 s7, s2  }
0x1e: {  	s7 =	smul.u32 @!p0 $0xF7A, s2;
	p2 =	seq.s32 @!p0 s5, $0x0  }
0x1f: {  	s9 =	smul.u32 $0xF7A, s1;
	s8 =	simm.s32 @!p0 $0x1BF5;
	p2 =	por !p2, p0  }
0x20: {  	[sflag:s8] =	ssyncset.s32 @!p0 $0xFFFFF086;
	s6 =	sadd.s32 @!p0 s3, s7;
	s7 =	simm.s32 @!p0 $0x108  }
0x21: {  	s3 =	sadd.s32 s3, s9;
	s6 =	sadd.s32 @!p0 $0x88, s6;
	s7 =	simm.s32 @p2 $0x1082  }
0x22: {  	[simem:s7], [sflag:s8] =	dma.local @!p0 [hbm:s6], $0xF7A  }
0x23: {  	s9 =	sor.u32 $0xD0000000, s2;
	s6 =	simm.s32 $0x108;
	_ =	swait.ge @!p0 [sflag:s8], $0x0  }
0x24: {  	s3 =	sadd.s32 $0x88, s3;
	s6 =	simm.s32 @!p1 $0x1082;
	[sflag:s4] =	ssyncset.s32 $0xFFFFF086  }
0x25: {  	[simem:s6], [sflag:s4] =	dma.local [hbm:s3], $0xF7A  }
0x26: {  	[smem:$0x3F98] =	sst s1;
	(tag) =	ssettag s2;
	_ =	strace s9  }
0x27: {  	s1 =	sld [smem:$0x3FA8]  }
0x28: {  	s2 =	sld [smem:$0x3FA9]  }
0x29: {  	s4 =	sld [smem:$0x3FAB]  }
0x2a: {  	p0 =	seq.s32 s5, $0x0;
	s5 =	sld [smem:$0x3FAC]  }
0x2b: {  	s6 =	sld [smem:$0x3FAD]  }
0x2c: {  	s7 =	sld [smem:$0x3FAE]  }
0x2d: {  	s3 =	simm.s32 $0x108;
	s8 =	sld [smem:$0x3FAF]  }
0x2e: {  	s3 =	simm.s32 @!p0 $0x1082;
	s9 =	sld [smem:$0x3FB0]  }
0x2f: {  	lr =	sadd.s32 s0, s3;
	s0 =	sld [smem:$0x3FA7]  }
0x30: {  	s3 =	sld [smem:$0x3FAA]  }
0x31: {  	[smem:$0x3FB3] =	sst s10  }
0x32: {  	s10 =	sld [smem:$0x3FB1];
	_ =	sdelay $0x3  }
0x33: {  	p0 =	seq.s32 s10, $0x1;
	s10 =	sld [smem:$0x3FB3];
	_ =	sdelay $0x3  }
0x34: {  	[smem:$0x3FB3] =	sst s10  }
0x35: {  	s10 =	sld [smem:$0x3FB2];
	_ =	sdelay $0x3  }
0x36: {  	p1 =	seq.s32 s10, $0x1;
	s10 =	sld [smem:$0x3FB3];
	_ =	sdelay $0x3  }
0x37: {  	[smem:$0x3FB3] =	sst s10  }
0x38: {  	s10 =	sld [smem:$0x3FB4]  }
0x39: {  	_ = 	snop;
	(pc) =	sbr.ind lr, $3  }
0x3a: {  	_ = 	snop  }
0x3b: {  	_ = 	snop  }
0x3c: {  	p2 =	seq.s32 s10, $0x1;
	s10 =	sld [smem:$0x3FB3]  }
0x3d: {  	_ =	shalt  }
0x3e: {  	_ =	shalt  }
0x3f: {  	_ =	shalt  }
0x40: {  	_ =	shalt  }
0x41: {  	_ =	shalt  }
0x42: {  	_ =	shalt  }
0x43: {  	_ =	shalt  }
0x44: {  	_ =	shalt  }
0x45: {  	_ =	shalt  }
0x46: {  	_ =	shalt  }
0x47: {  	_ =	shalt  }
0x48: {  	_ =	shalt  }
0x49: {  	_ =	shalt  }
0x4a: {  	_ =	shalt  }
0x4b: {  	_ =	shalt  }
0x4c: {  	_ =	shalt  }
0x4d: {  	_ =	shalt  }
0x4e: {  	_ =	shalt  }
0x4f: {  	_ =	shalt  }
0x50: {  	_ =	shalt  }
0x51: {  	_ =	shalt  }
0x52: {  	_ =	shalt  }
0x53: {  	_ =	shalt  }
0x54: {  	_ =	shalt  }
0x55: {  	_ =	shalt  }
0x56: {  	_ =	shalt  }
0x57: {  	_ =	shalt  }
0x58: {  	_ =	shalt  }
0x59: {  	_ =	shalt  }
0x5a: {  	_ =	shalt  }
0x5b: {  	_ =	shalt  }
0x5c: {  	_ =	shalt  }
0x5d: {  	_ =	shalt  }
0x5e: {  	_ =	shalt  }
0x5f: {  	_ =	shalt  }
0x60: {  	_ =	shalt  }
0x61: {  	_ =	shalt  }
0x62: {  	_ =	shalt  }
0x63: {  	_ =	shalt  }
0x64: {  	_ =	shalt  }
0x65: {  	_ =	shalt  }
0x66: {  	_ =	shalt  }
0x67: {  	_ =	shalt  }
0x68: {  	_ =	shalt  }
0x69: {  	_ =	shalt  }
0x6a: {  	_ =	shalt  }
0x6b: {  	_ =	shalt  }
0x6c: {  	_ =	shalt  }
0x6d: {  	_ =	shalt  }
0x6e: {  	_ =	shalt  }
0x6f: {  	_ =	shalt  }
0x70: {  	_ =	shalt  }
0x71: {  	_ =	shalt  }
0x72: {  	_ =	shalt  }
0x73: {  	_ =	shalt  }
0x74: {  	_ =	shalt  }
0x75: {  	_ =	shalt  }
0x76: {  	_ =	shalt  }
0x77: {  	_ =	shalt  }
0x78: {  	_ =	shalt  }
0x79: {  	_ =	shalt  }
0x7a: {  	_ =	shalt  }
0x7b: {  	_ =	shalt  }
0x7c: {  	_ =	shalt  }
0x7d: {  	_ =	shalt  }
0x7e: {  	_ =	shalt  }
0x7f: {  	_ =	shalt  }
0x80: {  	_ =	shalt  }
0x81: {  	_ =	shalt  }
0x82: {  	_ =	shalt  }
0x83: {  	_ =	shalt  }
0x84: {  	_ =	shalt  }
0x85: {  	_ =	shalt  }
0x86: {  	_ =	shalt  }
0x87: {  	_ =	shalt  }
.Lfunc_end0:
.L_simem_size_0:
called_computation_lowered:
.L_overlay_start_0:
0x88: {  	s2 =	sld [smem:$0x3FD9]  }
0x89: {  	s3 =	sld [smem:$0x3FFE];
	_ =	sdelay $0x1  }
0x8a: {  	s1 =	srdreg.scid  }
0x8b: {  	s0 =	sand.u32 $0x1, s1  }
0x8c: {  	s17 =	sshll.u32 s0, $0xA;
	s2 =	sadd.s32 s3, s2  }
0x8d: {  	s2 =	sadd.s32 s2, s17  }
0x8e: {  	[smem:$0x3FBF] =	sst s2  }
0x8f: {  	_ = 	snop  }
0x90: {  	s2 =	sld [smem:$0x3FC9];
	(tm) =	ssettm $0x1  }
0x91: {  	s18 =	sld [smem:$0x3FFB];
	_ =	sdelay $0x3  }
0x92: {  	_ =	strace s18  }
0x93: {  	s3 =	sld [smem:$0x3FFC];
	_ =	sdelay $0x3  }
0x94: {  	_ =	strace s3  }
0x95: {  	s3 =	sld [smem:$0x3FFD];
	_ =	sdelay $0x3  }
0x96: {  	_ =	strace s3  }
0x97: {  	_ =	strace $0x8FFFFFFF  }
0x98: {  	s19 =	sld [smem:$0x3FDB];
	_ =	sdelay $0x1  }
0x99: {  	s4 =	simm.s32 $_scs_section_size  }
0x9a: {  	s5 =	simm.s32 $_size__tile_overlayer_lowered;
	s6 =	simm.s32 $_tile_overlayer_lowered  }
0x9b: {  	s22 =	simm.s32 $0x1BFF;
	s21 =	sshll.u32 s6, $0x1;
	s3 =	sadd.s32 s4, s19  }
0x9c: {  	s7 =	simm.s32 $0x0;
	s20 =	sshll.u32 s5, $0x1;
	s5 =	sadd.s32 s21, s3  }
0x9d: {  	[timem:s7], [sflag:s22] =	dma.local [hbm:s5], s20  }
0x9e: {  	_ =	swait.ge [sflag:s22], s20  }
0x9f: {  	s4 =	ssub.s32 $0x0, s20;
	[sflag:s22] =	ssyncset.done $0x0  }
0xa0: {  	[sflag:s22] =	ssyncadd.s32 s4;
	_ =	sdelay $0x1  }
0xa1: {  	s23 =	simm.s32 $0x1B8B  }
0xa2: {  	_ =	swait.ge [sflag:s23], $0x1  }
0xa3: {  	[sflag:s23] =	ssyncset.done $0x0  }
0xa4: {  	s25 =	simm.s32 $0x1B8E;
	s24 =	sld [smem:$0x3FFE];
	[sflag:s23] =	ssyncadd.s32 $0xFFFFFFFF  }
0xa5: {  	s26 =	simm.s32 $execute0_lowered;
	[smem:$0x3FD2] =	sst s25  }
0xa6: {  	s5 =	sshll.u32 s26, $0x1;
	_ =	strace $0x80000046;
	[dreg:$0x1] =	wrdreg $0xFFFFFFFF  }
0xa7: {  	s28 =	simm.s32 $_size_execute0_lowered;
	s3 =	sadd.s32 s3, s5;
	[dreg:$0x0] =	wrdreg $0x0  }
0xa8: {  	s5 =	sshll.u32 s28, $0x1;
	[dreg:$0x2] =	wrdreg s3  }
0xa9: {  	[dreg:$0x3] =	wrdreg s5  }
0xaa: {  	[dreg:$0x4] =	wrdreg $0xC0  }
0xab: {  	_ =	task [dreg:s7], $0x5FFFF  }
0xac: {  	[dreg:$0x1] =	wrdreg $0xFFFFFFFF  }
0xad: {  	[dreg:$0x0] =	wrdreg $0x60  }
0xae: {  	[dreg:$0x2] =	wrdreg s2  }
0xaf: {  	[dreg:$0x3] =	wrdreg s24  }
0xb0: {  	[dreg:$0x4] =	wrdreg $0xA8000  }
0xb1: {  	[dreg:$0x5] =	wrdreg $0x9  }
0xb2: {  	_ =	task.clear_ibuf [dreg:s7], $0x6FFFF;
	_ =	strace $0x90000046  }
0xb3: {  	s29 =	simm.s32 $0x9;
	_ =	strace $0x80000048  }
0xb4: {  	_ =	swait.ge [sflag:s29], $0x1  }
0xb5: {  	[sflag:s29] =	ssyncadd.s32 $0xFFFFFFFF  }
0xb6: {  	_ =	strace $0x90000048  }
0xb7: {  	_ =	sfence  }
0xb8: {  	s30 =	sld [smem:$0x0];
	_ =	sdelay $0x2  }
0xb9: {  	s31 =	sshll.u32 s1, $0xD;
	s1 =	sshrl.u32 s1, $0x2  }
0xba: {  	s3 =	sand.u32 $0x4000, s31;
	s1 =	sadd.s32 s1, s30  }
0xbb: {  	s0 =	sor.u32 s3, s0;
	s1 =	sshll.u32 s1, $0x11  }
0xbc: {  	s0 =	sor.u32 s1, s0  }
0xbd: {  	s0 =	sadd.s32 $0x8F2B, s0  }
0xbe: {  	[sflag:s0] =	ssyncadd.remote.s32 $0x1  }
0xbf: {  	_ =	sfence.sel $0xFFFF  }
0xc0: {  	[dreg:$0x0] =	wrdreg $0xFFFFFFFF;
	(pc) =	sbr.abs _section_cstart, $3  }
0xc1: {  	[dreg:$0x1] =	wrdreg $0xFFFFFFFF  }
0xc2: {  	_ =	task.clear_ibuf [dreg:s7], $0x2FFFF;
	_ =	strace $0x9FFFFFFF  }
0xc3: {  	(tm) =	ssettm $0x7FFFFFFF  }
tec
execute0_lowered:
.L_overlay_start_1:
0x0: {  	(tag) =	ssettag $0x1  }
0x1: {  	s1 =	rddreg [dreg:$0x0]  }
0x2: {  	s5 =	rddreg [dreg:$0x1]  }
0x3: {  	s3 =	rddreg [dreg:$0x2]  }
0x4: {  	s0 =	rddreg [dreg:$0x3];
	s4 =	simm.s32 $0x0  }
0x5: {  	s6 =	srdreg.scid;
	s2 =	stileid.u32;
	s15 =	simm.s32 $0x1400  }
0x6: {  	s16 =	simm.s32 $0x80;
	s17 =	simm.s32 $0x2800;
	s18 =	simm.s32 $0x1  }
0x7: {  	s19 =	simm.s32 $0x6800;
	s20 =	simm.s32 $0x2;
	s21 =	simm.s32 $0x3  }
0x8: {  	s22 =	simm.s32 $0x100;
	s23 =	simm.s32 $0x1480;
	s24 =	simm.s32 $0x4  }
0x9: {  	s25 =	simm.s32 $0x0;
	[smem:$0x7FF] =	sst s4;
	s6 =	sand.u32 $0x1, s6  }
0xa: {  	s7 =	smul.u32 $0x2700, s2;
	s9 =	sadd.s32 $0x1E00, s5;
	s10 =	sadd.s32 $0xBE00, s5  }
0xb: {  	s11 =	smul.u32 $0x4E000, s2;
	s12 =	sshll.u32 s2, $0x1;
	s29 =	sshll.u32 s2, $0x6  }
0xc: {  	_ =	strace $0x80000047;
	s8 =	smul.u32 $0x27100, s6;
	s13 =	ssub.s32 $0x2, s6  }
0xd: {  	s6 =	sor.u32 s6, s12;
	s26 =	sshrl.u32 s13, $0x1;
	s11 =	sshrl.u32 s11, $0x2  }
0xe: {  	s6 =	smul.u32 $0x2800, s6;
	s8 =	sadd.s32 s7, s8;
	s12 =	ssub.s32 s13, s26  }
.Ltmp0:
0xf: {  	s28 =	sadd.s32 s11, s3;
	s14 =	sadd.s32 s8, s5;
	(pc) =	sbr.rel .LBB2_1-.Ltmp0, $4  }
0x10: {  	s5 =	sadd.s32 s1, s7;
	s30 =	sshrl.u32 s6, $0x3;
	s6 =	sor.u32 $0x1C05, s29  }
0x11: {  	s12 =	smax.u32 s12, $0x1;
	s13 =	sshrl.u32 s28, $0x3;
	s7 =	sadd.s32 s9, s30  }
0x12: {  	s31 =	sadd.s32 $0x280, s30;
	s8 =	sadd.s32 s10, s30;
	s11 =	sadd.s32 $0x15E00, s14  }
0x13: {  	s14 =	simm.s32 $0x5;
	s9 =	sadd.s32 s9, s31;
	s10 =	sadd.s32 s10, s31  }
.LBB2_7:
0x14: {  	[spmem:s3] =	stream.indirect.scatter.add.f32 [tilespmem:s19], [sflag:$0x4], $0x80, s29, s16, $0xb8;
	[tilespmem:$0x1E0C0] =	vst v63  }
0x15: {  	_ =	swait.ge [sflag:s24], $0x4000  }
0x16: {  	s25 =	sadd.s32 $0x1, s25;
	[sflag:s24] =	ssyncset.done $0x0  }
0x17: {  	p0 =	sne.s32 s25, s12;
	[sflag:s24] =	ssyncadd.s32 $0xFFFFC000  }
.Ltmp1:
0x18: {  	[bflag:$0x0] =	sbarrier.arrive $0xFFFF;
	(pc) =	sbr.rel @!p0 .LBB2_8-.Ltmp1, $4  }
0x19: {  	[hbm:s11], [sflag:s6] =	dma.local [spmem:s13], $0x2800  }
0x1a: {  	_ =	swait.ge [sflag:s14], $0x2800  }
0x1b: {  	[sflag:s14] =	ssyncset.done $0x0  }
0x1c: {  	[sflag:s14] =	ssyncadd.s32 $0xFFFFD800  }
.LBB2_1:
0x1d: {  	[spmem:s13], [sflag:s6] =	dma.local [hbm:s5], $0x2800  }
0x1e: {  	_ =	swait.ge [sflag:s14], $0x2800  }
0x1f: {  	[sflag:s14] =	ssyncset.done $0x0  }
0x20: {  	[sflag:s14] =	ssyncadd.s32 $0xFFFFD800  }
0x21: {  	[bflag:$0x0] =	sbarrier.arrive $0xFFFF  }
0x22: {  	[tilespmem:s4], [sflag:$0x5] =	stream.linear.gather [hbm4b:s7+s4], $0x1400, $0x38;
	[tilespmem:$0x1E0C0] =	vst v63  }
0x23: {  	_ =	swait.ge [sflag:s14], $0x1400  }
0x24: {  	[sflag:s14] =	ssyncset.done $0x0  }
0x25: {  	[sflag:s14] =	ssyncadd.s32 $0xFFFFEC00  }
0x26: {  	[tilespmem:s15], [sflag:$0x5] =	stream.linear.gather [hbm4b:s8+s4], $0x1400, $0x38;
	[tilespmem:$0x1E0C0] =	vst v63  }
0x27: {  	_ =	swait.ge [sflag:s14], $0x1400  }
0x28: {  	[sflag:s14] =	ssyncset.done $0x0  }
0x29: {  	[sflag:s14] =	ssyncadd.s32 $0xFFFFEC00  }
0x2a: {  	[tilespmem:s17], [sflag:$0x1] =	stream.indirect.gather [hbm4b:s1+s16], $0x80, s4, s16, $0xb8;
	[tilespmem:$0x1E0C0] =	vst v63  }
0x2b: {  	_ =	swait.ge [sflag:s18], $0x4000  }
0x2c: {  	[sflag:s18] =	ssyncset.done $0x0  }
0x2d: {  	[sflag:s18] =	ssyncadd.s32 $0xFFFFC000  }
0x2e: {  	[tilespmem:s19], [sflag:$0x2] =	stream.indirect.gather [hbm4b:s1+s16], $0x80, s16, s16, $0xb8;
	[tilespmem:$0x1E0C0] =	vst v63  }
0x2f: {  	_ = 	snop  }
0x30: {  	[spmem:s3] =	stream.indirect.scatter.add.f32 [tilespmem:s17], [sflag:$0x3], $0x80, s15, s16, $0xb8;
	[tilespmem:$0x1E0C0] =	vst v63  }
0x31: {  	_ =	swait.ge [sflag:s20], $0x4000  }
0x32: {  	[sflag:s20] =	ssyncset.done $0x0  }
0x33: {  	[sflag:s20] =	ssyncadd.s32 $0xFFFFC000  }
0x34: {  	_ =	swait.ge [sflag:s21], $0x4000  }
0x35: {  	[sflag:s21] =	ssyncset.done $0x0  }
0x36: {  	[sflag:s21] =	ssyncadd.s32 $0xFFFFC000  }
0x37: {  	[tilespmem:s17], [sflag:$0x1] =	stream.indirect.gather [hbm4b:s1+s16], $0x80, s22, s16, $0xb8;
	[tilespmem:$0x1E0C0] =	vst v63  }
0x38: {  	s26 =	simm.s32 $0xFFFFB800  }
0x39: {  	[spmem:s3] =	stream.indirect.scatter.add.f32 [tilespmem:s19], [sflag:$0x4], $0x80, s23, s16, $0xb8;
	[tilespmem:$0x1E0C0] =	vst v63  }
.LBB2_2:
0x3a: {  	_ =	swait.ge [sflag:s18], $0x4000  }
0x3b: {  	[sflag:s18] =	ssyncset.done $0x0  }
0x3c: {  	[sflag:s18] =	ssyncadd.s32 $0xFFFFC000  }
0x3d: {  	_ =	swait.ge [sflag:s24], $0x4000  }
0x3e: {  	s28 =	sshra.s32 s26, $0x2;
	[sflag:s24] =	ssyncset.done $0x0  }
0x3f: {  	s29 =	sadd.s32 $0x1380, s28;
	[sflag:s24] =	ssyncadd.s32 $0xFFFFC000  }
0x40: {  	[tilespmem:s19], [sflag:$0x2] =	stream.indirect.gather [hbm4b:s1+s16], $0x80, s29, s16, $0xb8;
	[tilespmem:$0x1E0C0] =	vst v63  }
0x41: {  	s29 =	sadd.s32 $0x2700, s28  }
0x42: {  	[spmem:s3] =	stream.indirect.scatter.add.f32 [tilespmem:s17], [sflag:$0x3], $0x80, s29, s16, $0xb8;
	[tilespmem:$0x1E0C0] =	vst v63  }
0x43: {  	p0 =	seq.s32 s26, $0x0;
	_ =	swait.ge [sflag:s20], $0x4000  }
.Ltmp2:
0x44: {  	[sflag:s20] =	ssyncset.done $0x0;
	(pc) =	sbr.rel @p0 .LBB2_4-.Ltmp2, $4  }
0x45: {  	[sflag:s20] =	ssyncadd.s32 $0xFFFFC000  }
0x46: {  	_ =	swait.ge [sflag:s21], $0x4000  }
0x47: {  	[sflag:s21] =	ssyncset.done $0x0  }
0x48: {  	s29 =	sadd.s32 $0x2780, s28;
	[sflag:s21] =	ssyncadd.s32 $0xFFFFC000  }
.Ltmp3:
0x49: {  	(pc) =	sbr.rel .LBB2_2-.Ltmp3, $4  }
0x4a: {  	s28 =	sadd.s32 $0x1400, s28  }
0x4b: {  	[tilespmem:s17], [sflag:$0x1] =	stream.indirect.gather [hbm4b:s1+s16], $0x80, s28, s16, $0xb8;
	[tilespmem:$0x1E0C0] =	vst v63  }
0x4c: {  	s26 =	sadd.s32 $0x400, s26  }
0x4d: {  	[spmem:s3] =	stream.indirect.scatter.add.f32 [tilespmem:s19], [sflag:$0x4], $0x80, s29, s16, $0xb8;
	[tilespmem:$0x1E0C0] =	vst v63  }
.LBB2_4:
0x4e: {  	[spmem:s3] =	stream.indirect.scatter.add.f32 [tilespmem:s19], [sflag:$0x4], $0x80, s29, s16, $0xb8;
	[tilespmem:$0x1E0C0] =	vst v63  }
0x4f: {  	_ =	swait.ge [sflag:s24], $0x4000  }
0x50: {  	[sflag:s24] =	ssyncset.done $0x0  }
0x51: {  	[sflag:s24] =	ssyncadd.s32 $0xFFFFC000  }
0x52: {  	[tilespmem:s4], [sflag:$0x5] =	stream.linear.gather [hbm4b:s9+s4], $0x1400, $0x38;
	[tilespmem:$0x1E0C0] =	vst v63  }
0x53: {  	_ =	swait.ge [sflag:s14], $0x1400  }
0x54: {  	[sflag:s14] =	ssyncset.done $0x0  }
0x55: {  	[sflag:s14] =	ssyncadd.s32 $0xFFFFEC00  }
0x56: {  	[tilespmem:s15], [sflag:$0x5] =	stream.linear.gather [hbm4b:s10+s4], $0x1400, $0x38;
	[tilespmem:$0x1E0C0] =	vst v63  }
0x57: {  	_ =	swait.ge [sflag:s14], $0x1400  }
0x58: {  	[sflag:s14] =	ssyncset.done $0x0  }
0x59: {  	[sflag:s14] =	ssyncadd.s32 $0xFFFFEC00  }
0x5a: {  	[tilespmem:s17], [sflag:$0x1] =	stream.indirect.gather [hbm4b:s1+s16], $0x80, s4, s16, $0xb8;
	[tilespmem:$0x1E0C0] =	vst v63  }
0x5b: {  	_ =	swait.ge [sflag:s18], $0x4000  }
0x5c: {  	[sflag:s18] =	ssyncset.done $0x0  }
0x5d: {  	[sflag:s18] =	ssyncadd.s32 $0xFFFFC000  }
0x5e: {  	[tilespmem:s19], [sflag:$0x2] =	stream.indirect.gather [hbm4b:s1+s16], $0x80, s16, s16, $0xb8;
	[tilespmem:$0x1E0C0] =	vst v63  }
0x5f: {  	_ = 	snop  }
0x60: {  	[spmem:s3] =	stream.indirect.scatter.add.f32 [tilespmem:s17], [sflag:$0x3], $0x80, s15, s16, $0xb8;
	[tilespmem:$0x1E0C0] =	vst v63  }
0x61: {  	_ =	swait.ge [sflag:s20], $0x4000  }
0x62: {  	[sflag:s20] =	ssyncset.done $0x0  }
0x63: {  	[sflag:s20] =	ssyncadd.s32 $0xFFFFC000  }
0x64: {  	_ =	swait.ge [sflag:s21], $0x4000  }
0x65: {  	[sflag:s21] =	ssyncset.done $0x0  }
0x66: {  	[sflag:s21] =	ssyncadd.s32 $0xFFFFC000  }
0x67: {  	[tilespmem:s17], [sflag:$0x1] =	stream.indirect.gather [hbm4b:s1+s16], $0x80, s22, s16, $0xb8;
	[tilespmem:$0x1E0C0] =	vst v63  }
0x68: {  	s26 =	simm.s32 $0xFFFFB800  }
0x69: {  	[spmem:s3] =	stream.indirect.scatter.add.f32 [tilespmem:s19], [sflag:$0x4], $0x80, s23, s16, $0xb8;
	[tilespmem:$0x1E0C0] =	vst v63  }
.LBB2_5:
0x6a: {  	_ =	swait.ge [sflag:s18], $0x4000  }
0x6b: {  	[sflag:s18] =	ssyncset.done $0x0  }
0x6c: {  	[sflag:s18] =	ssyncadd.s32 $0xFFFFC000  }
0x6d: {  	_ =	swait.ge [sflag:s24], $0x4000  }
0x6e: {  	s28 =	sshra.s32 s26, $0x2;
	[sflag:s24] =	ssyncset.done $0x0  }
0x6f: {  	s29 =	sadd.s32 $0x1380, s28;
	[sflag:s24] =	ssyncadd.s32 $0xFFFFC000  }
0x70: {  	[tilespmem:s19], [sflag:$0x2] =	stream.indirect.gather [hbm4b:s1+s16], $0x80, s29, s16, $0xb8;
	[tilespmem:$0x1E0C0] =	vst v63  }
0x71: {  	s29 =	sadd.s32 $0x2700, s28  }
0x72: {  	[spmem:s3] =	stream.indirect.scatter.add.f32 [tilespmem:s17], [sflag:$0x3], $0x80, s29, s16, $0xb8;
	[tilespmem:$0x1E0C0] =	vst v63  }
0x73: {  	p0 =	seq.s32 s26, $0x0;
	_ =	swait.ge [sflag:s20], $0x4000  }
.Ltmp4:
0x74: {  	[sflag:s20] =	ssyncset.done $0x0;
	(pc) =	sbr.rel @p0 .LBB2_7-.Ltmp4, $4  }
0x75: {  	[sflag:s20] =	ssyncadd.s32 $0xFFFFC000  }
0x76: {  	_ =	swait.ge [sflag:s21], $0x4000  }
0x77: {  	[sflag:s21] =	ssyncset.done $0x0  }
0x78: {  	s29 =	sadd.s32 $0x2780, s28;
	[sflag:s21] =	ssyncadd.s32 $0xFFFFC000  }
.Ltmp5:
0x79: {  	(pc) =	sbr.rel .LBB2_5-.Ltmp5, $4  }
0x7a: {  	s28 =	sadd.s32 $0x1400, s28  }
0x7b: {  	[tilespmem:s17], [sflag:$0x1] =	stream.indirect.gather [hbm4b:s1+s16], $0x80, s28, s16, $0xb8;
	[tilespmem:$0x1E0C0] =	vst v63  }
0x7c: {  	s26 =	sadd.s32 $0x400, s26  }
0x7d: {  	[spmem:s3] =	stream.indirect.scatter.add.f32 [tilespmem:s19], [sflag:$0x4], $0x80, s29, s16, $0xb8;
	[tilespmem:$0x1E0C0] =	vst v63  }
.LBB2_8:
0x7e: {  	_ =	sfence.sel $0x180000  }
0x7f: {  	[bflag:$0x0] =	sbarrier.arrive $0xFFFF  }
0x80: {  	p0 =	sne.s32 s2, $0x0;
	_ =	strace $0x90000047  }
0x81: {  	s0 =	sadd.s32 @!p0 $0x100000, s0;
	[bflag:$0x2] =	sbarrier.arrive $0xFFFF  }
0x82: {  	[sflag:s0] =	ssyncadd.tile.s32 @!p0 $0x1;
	_ =	shalt  }
.Lfunc_end2:
_tile_overlayer_lowered:
.L_overlay_start_2:
0x83: {  	(tag) =	ssettag $0x2  }
0x84: {  	s0 =	rddreg [dreg:$0x0];
	s2 =	stileid.u32  }
0x85: {  	s1 =	rddreg [dreg:$0x1];
	p0 =	sne.s32 s2, $0x0  }
0x86: {  	s3 =	rddreg [dreg:$0x2];
	[bflag:$0x3] =	sbarrier.arrive $0xFFFF;
	s2 =	simm.s32 @!p0 $0x1C05  }
0x87: {  	[timem:s3], [sflag:s2] =	dma.local @!p0 [hbm:s0], s1  }
0x88: {  	s0 =	simm.s32 @!p0 $0x5  }
0x89: {  	_ =	swait.ge @!p0 [sflag:s0], s1  }
0x8a: {  	s1 =	ssub.s32 @!p0 $0x0, s1;
	[sflag:s0] =	ssyncset.done @!p0 $0x0  }
0x8b: {  	[sflag:s0] =	ssyncadd.s32 @!p0 s1  }
0x8c: {  	[bflag:$0x3] =	sbarrier.arrive $0xFFFF  }
0x8d: {  	_ =	shalt  }

</sc_bundles>
